<compile_context>
chip_gen: v7x
topology: tpu7x:2x2x1
jax: 0.10.2.dev20260603
libtpu: 0.0.44.dev20260713+nightly
codegen_flags: <defaults>
</compile_context>

<pallas_src>
import jax
import jax.numpy as jnp
from jax import lax
from jax.experimental import pallas as pl
from jax.experimental.pallas import tpu as pltpu
from jax.experimental.pallas import tpu_sc as plsc

N = 100000
D = 128

NC = 2
NS = 16
NW = NC * NS

PER_W = 3120
EXTRA = 16
NEXTRA = 10
CHUNK = 312
NCHUNK = PER_W // CHUNK
NBUF = 3


def _emb_body(idx_hbm, tbl_hbm, out_hbm,
              tbl_sh, idx_all, r0, r1, r2, tr,
              isem, g0, g1, g2, o0, o1, o2):
  row_bufs = (r0, r1, r2)
  gsem = (g0, g1, g2)
  osem = (o0, o1, o2)

  sid = lax.axis_index("s")
  wid = sid * NC + lax.axis_index("c")
  base = wid * PER_W + jnp.minimum(wid, NEXTRA) * EXTRA

  idx_cp = pltpu.async_copy(idx_hbm.at[pl.ds(base, PER_W)],
                            idx_all.at[pl.ds(0, PER_W)], isem)

  @pl.when(wid < NEXTRA)
  def _tail_idx():
    pltpu.async_copy(idx_hbm.at[pl.ds(base + PER_W, EXTRA)],
                     idx_all.at[pl.ds(PER_W, EXTRA)], isem)

  @pl.when(sid == 0)
  def _stage():
    pltpu.sync_copy(tbl_hbm, tbl_sh.at[pl.ds(1, 93)])

  plsc.subcore_barrier()
  idx_cp.wait()

  @pl.when(wid < NEXTRA)
  def _tail_idx_wait():
    pltpu.make_async_copy(idx_hbm.at[pl.ds(base + PER_W, EXTRA)],
                          idx_all.at[pl.ds(PER_W, EXTRA)], isem).wait()

  gathers = [None] * NBUF
  outs = [None] * NBUF

  def issue(g, b):
    gathers[b] = pltpu.async_copy(
        tbl_sh.at[idx_all.at[pl.ds(g * CHUNK, CHUNK)]], row_bufs[b], gsem[b])

  for g in range(NBUF - 1):
    issue(g, g)

  for g in range(NCHUNK):
    b = g % NBUF
    la = g + NBUF - 1
    if la < NCHUNK:
      lb = la % NBUF
      if la >= NBUF:
        outs[lb].wait()
      issue(la, lb)
    gathers[b].wait()
    outs[b] = pltpu.async_copy(row_bufs[b],
                               out_hbm.at[pl.ds(base + g * CHUNK, CHUNK)],
                               osem[b])
  for g in range(max(0, NCHUNK - NBUF), NCHUNK):
    outs[g % NBUF].wait()

  @pl.when(wid < NEXTRA)
  def _tail():
    pltpu.async_copy(tbl_sh.at[idx_all.at[pl.ds(PER_W, EXTRA)]], tr,
                     g0).wait()
    pltpu.sync_copy(tr, out_hbm.at[pl.ds(base + PER_W, EXTRA)])


@jax.jit
def kernel(x, table):
  idx = jnp.reshape(x, (N,)).astype(jnp.int32)

  mesh = plsc.VectorSubcoreMesh(core_axis_name="c", subcore_axis_name="s")
  run = pl.kernel(
      _emb_body,
      mesh=mesh,
      out_type=jax.ShapeDtypeStruct((N, D), jnp.float32),
      scratch_types=[
          pltpu.VMEM_SHARED((94, D), jnp.float32),
          pltpu.VMEM((PER_W + EXTRA,), jnp.int32),
          pltpu.VMEM((CHUNK, D), jnp.float32),
          pltpu.VMEM((CHUNK, D), jnp.float32),
          pltpu.VMEM((CHUNK, D), jnp.float32),
          pltpu.VMEM((EXTRA, D), jnp.float32),
          pltpu.SemaphoreType.DMA,
          pltpu.SemaphoreType.DMA,
          pltpu.SemaphoreType.DMA,
          pltpu.SemaphoreType.DMA,
          pltpu.SemaphoreType.DMA,
          pltpu.SemaphoreType.DMA,
          pltpu.SemaphoreType.DMA,
      ],
  )
  return run(idx, table)

# --- scband reference (transcript-rebuilt; emitter-appended) ---
"""Pipeline reference for scband-embedding-node-encoder-24592982737432 (READ-ONLY COPY).

The authoritative reference and input builder live on the scoring server;
editing this copy changes nothing except your own understanding.
"""

import jax, jax.numpy as jnp
import numpy as np

N = 100000
DIM_EMB = 128
NUM_ROWS = 93


def setup_inputs(seed: int = 0) -> dict:
    key = jax.random.key(seed)
    k1, k2 = jax.random.split(key)
    # module does (x - 1) before lookup, so valid raw values are 1..93
    x = jax.random.randint(k1, (N, 1), 1, NUM_ROWS + 1)
    table = jax.random.uniform(
        k2, (NUM_ROWS, DIM_EMB), minval=-np.sqrt(3.0), maxval=np.sqrt(3.0),
        dtype=jnp.float32,
    )
    return {"x": x, "table": table}


def reference(x, table):
    # batch.x = embedding(batch.x.squeeze(-1).long() - 1)
    idx = jnp.squeeze(x, axis=-1).astype(jnp.int32) - 1
    out = jnp.take(table, idx, axis=0)
    return out

if __name__ == "__main__":
    import jax
    _d = setup_inputs()
    print(jax.jit(kernel)(*tuple(_d.values())))

</pallas_src>

<mosaic_0001>
#map = affine_map<(d0, d1) -> (0)>
#map1 = affine_map<(d0, d1) -> (0, 0)>
module attributes {stable_mosaic.version = 14 : i64} {
  func.func @_emb_body(%arg0: i32, %arg1: i32, %arg2: memref<100000xi32, #tpu.memory_space<hbm>>, %arg3: memref<93x128xf32, #tpu.memory_space<hbm>>, %arg4: memref<100000x128xf32, #tpu.memory_space<hbm>>, %arg5: memref<94x128xf32, #tpu.memory_space<vmem_shared>>, %arg6: memref<3136xi32, #tpu.memory_space<vmem>>, %arg7: memref<312x128xf32, #tpu.memory_space<vmem>>, %arg8: memref<312x128xf32, #tpu.memory_space<vmem>>, %arg9: memref<312x128xf32, #tpu.memory_space<vmem>>, %arg10: memref<16x128xf32, #tpu.memory_space<vmem>>, %arg11: memref<!tpu.dma_semaphore, #tpu.memory_space<semaphore_mem>>, %arg12: memref<!tpu.dma_semaphore, #tpu.memory_space<semaphore_mem>>, %arg13: memref<!tpu.dma_semaphore, #tpu.memory_space<semaphore_mem>>, %arg14: memref<!tpu.dma_semaphore, #tpu.memory_space<semaphore_mem>>, %arg15: memref<!tpu.dma_semaphore, #tpu.memory_space<semaphore_mem>>, %arg16: memref<!tpu.dma_semaphore, #tpu.memory_space<semaphore_mem>>, %arg17: memref<!tpu.dma_semaphore, #tpu.memory_space<semaphore_mem>>) attributes {dimension_semantics = [#tpu.dimension_semantics<core_parallel>, #tpu.dimension_semantics<subcore_parallel>], iteration_bounds = array<i64: 2, 16>, scalar_prefetch = 0 : i64, scratch_operands = 13 : i64, tpu.core_type = #tpu.core_type<sc_vector_subcore>, window_params = [{transform_indices = #map}, {transform_indices = #map1}, {transform_indices = #map1}]} {
    %mul3A = arith.constant 2 : i32
    %mul3A_0 = arith.muli %arg1, %mul3A : i32
    %add3A = arith.addi %mul3A_0, %arg0 : i32
    %mul3A_1 = arith.constant 3120 : i32
    %mul3A_2 = arith.muli %add3A, %mul3A_1 : i32
    %min3A = arith.constant 10 : i32
    %min3A_3 = arith.minsi %add3A, %min3A : i32
    %mul3A_4 = arith.constant 16 : i32
    %mul3A_5 = arith.muli %min3A_3, %mul3A_4 : i32
    %add3A_6 = arith.addi %mul3A_2, %mul3A_5 : i32
    %dma_start3A = arith.constant 0 : i32
    %dma_start3A_7 = tpu.memref_slice %arg6[%dma_start3A] : memref<3136xi32, #tpu.memory_space<vmem>> -> memref<3120xi32, #tpu.memory_space<vmem>>
    %dma_start3A_8 = tpu.memref_slice %arg2[%add3A_6] : memref<100000xi32, #tpu.memory_space<hbm>> -> memref<3120xi32, #tpu.memory_space<hbm>>
    %dma_start3A_9 = arith.constant 0 : i32
    %dma_start3A_10 = tpu.memref_slice %arg6[%dma_start3A_9] : memref<3136xi32, #tpu.memory_space<vmem>> -> memref<3120xi32, #tpu.memory_space<vmem>>
    %dma_start3A_11 = tpu.memref_slice %arg2[%add3A_6] : memref<100000xi32, #tpu.memory_space<hbm>> -> memref<3120xi32, #tpu.memory_space<hbm>>
    tpu.enqueue_dma source(%dma_start3A_11 : memref<3120xi32, #tpu.memory_space<hbm>>) target(%dma_start3A_10 : memref<3120xi32, #tpu.memory_space<vmem>>) target_semaphore(%arg11 : memref<!tpu.dma_semaphore, #tpu.memory_space<semaphore_mem>>)
    %lt3A = arith.constant 10 : i32
    %lt3A_12 = arith.cmpi slt, %add3A, %lt3A : i32
    %convert_element_type3A = arith.extui %lt3A_12 : i1 to i32
    %cond3A = arith.constant 0 : i32
    %cond3A_13 = arith.cmpi ne, %convert_element_type3A, %cond3A : i32
    scf.if %cond3A_13 {
      %add3A_233 = arith.constant 3120 : i32
      %add3A_234 = arith.addi %add3A_6, %add3A_233 : i32
      %dma_start3A_235 = arith.constant 3120 : i32
      %dma_start3A_236 = tpu.memref_slice %arg6[%dma_start3A_235] : memref<3136xi32, #tpu.memory_space<vmem>> -> memref<16xi32, #tpu.memory_space<vmem>>
      %dma_start3A_237 = tpu.memref_slice %arg2[%add3A_234] : memref<100000xi32, #tpu.memory_space<hbm>> -> memref<16xi32, #tpu.memory_space<hbm>>
      %dma_start3A_238 = arith.constant 3120 : i32
      %dma_start3A_239 = tpu.memref_slice %arg6[%dma_start3A_238] : memref<3136xi32, #tpu.memory_space<vmem>> -> memref<16xi32, #tpu.memory_space<vmem>>
      %dma_start3A_240 = tpu.memref_slice %arg2[%add3A_234] : memref<100000xi32, #tpu.memory_space<hbm>> -> memref<16xi32, #tpu.memory_space<hbm>>
      tpu.enqueue_dma source(%dma_start3A_240 : memref<16xi32, #tpu.memory_space<hbm>>) target(%dma_start3A_239 : memref<16xi32, #tpu.memory_space<vmem>>) target_semaphore(%arg11 : memref<!tpu.dma_semaphore, #tpu.memory_space<semaphore_mem>>)
    } else {
    }
    %eq3A = arith.constant 0 : i32
    %eq3A_14 = arith.cmpi eq, %arg1, %eq3A : i32
    %convert_element_type3A_15 = arith.extui %eq3A_14 : i1 to i32
    %cond3A_16 = arith.constant 0 : i32
    %cond3A_17 = arith.cmpi ne, %convert_element_type3A_15, %cond3A_16 : i32
    scf.if %cond3A_17 {
      "tpu.region"() ({
        %run_scoped3A = tpu.sem_alloc : memref<!tpu.dma_semaphore, #tpu.memory_space<semaphore_mem>>
        %dma_start3A_233 = arith.constant 1 : i32
        %dma_start3A_234 = arith.constant 0 : i32
        %dma_start3A_235 = tpu.memref_slice %arg5[%dma_start3A_233, %dma_start3A_234] : memref<94x128xf32, #tpu.memory_space<vmem_shared>> -> memref<93x128xf32, #tpu.memory_space<vmem_shared>>
        tpu.enqueue_dma source(%arg3 : memref<93x128xf32, #tpu.memory_space<hbm>>) target(%dma_start3A_235 : memref<93x128xf32, #tpu.memory_space<vmem_shared>>) target_semaphore(%run_scoped3A : memref<!tpu.dma_semaphore, #tpu.memory_space<semaphore_mem>>)
        %dma_wait3A_236 = arith.constant 1 : i32
        %dma_wait3A_237 = arith.constant 0 : i32
        %dma_wait3A_238 = tpu.memref_slice %arg5[%dma_wait3A_236, %dma_wait3A_237] : memref<94x128xf32, #tpu.memory_space<vmem_shared>> -> memref<93x128xf32, #tpu.memory_space<vmem_shared>>
        tpu.wait_dma2 semaphore(%run_scoped3A : memref<!tpu.dma_semaphore, #tpu.memory_space<semaphore_mem>>) src(%arg3 : memref<93x128xf32, #tpu.memory_space<hbm>>) dst(%dma_wait3A_238 : memref<93x128xf32, #tpu.memory_space<vmem_shared>>)
        tpu.yield
      }) : () -> ()
    } else {
    }
    %barrier3A = arith.constant 0 : index
    tpu.barrier barrier_id(%barrier3A)
    %dma_wait3A = arith.constant 0 : i32
    %dma_wait3A_18 = tpu.memref_slice %arg6[%dma_wait3A] : memref<3136xi32, #tpu.memory_space<vmem>> -> memref<3120xi32, #tpu.memory_space<vmem>>
    %dma_wait3A_19 = tpu.memref_slice %arg2[%add3A_6] : memref<100000xi32, #tpu.memory_space<hbm>> -> memref<3120xi32, #tpu.memory_space<hbm>>
    %dma_wait3A_20 = arith.constant 0 : i32
    %dma_wait3A_21 = tpu.memref_slice %arg6[%dma_wait3A_20] : memref<3136xi32, #tpu.memory_space<vmem>> -> memref<3120xi32, #tpu.memory_space<vmem>>
    %dma_wait3A_22 = tpu.memref_slice %arg2[%add3A_6] : memref<100000xi32, #tpu.memory_space<hbm>> -> memref<3120xi32, #tpu.memory_space<hbm>>
    tpu.wait_dma2 semaphore(%arg11 : memref<!tpu.dma_semaphore, #tpu.memory_space<semaphore_mem>>) src(%dma_wait3A_22 : memref<3120xi32, #tpu.memory_space<hbm>>) dst(%dma_wait3A_21 : memref<3120xi32, #tpu.memory_space<vmem>>)
    %lt3A_23 = arith.constant 10 : i32
    %lt3A_24 = arith.cmpi slt, %add3A, %lt3A_23 : i32
    %convert_element_type3A_25 = arith.extui %lt3A_24 : i1 to i32
    %cond3A_26 = arith.constant 0 : i32
    %cond3A_27 = arith.cmpi ne, %convert_element_type3A_25, %cond3A_26 : i32
    scf.if %cond3A_27 {
      %add3A_233 = arith.constant 3120 : i32
      %add3A_234 = arith.addi %add3A_6, %add3A_233 : i32
      %dma_wait3A_235 = arith.constant 3120 : i32
      %dma_wait3A_236 = tpu.memref_slice %arg6[%dma_wait3A_235] : memref<3136xi32, #tpu.memory_space<vmem>> -> memref<16xi32, #tpu.memory_space<vmem>>
      %dma_wait3A_237 = tpu.memref_slice %arg2[%add3A_234] : memref<100000xi32, #tpu.memory_space<hbm>> -> memref<16xi32, #tpu.memory_space<hbm>>
      %dma_wait3A_238 = arith.constant 3120 : i32
      %dma_wait3A_239 = tpu.memref_slice %arg6[%dma_wait3A_238] : memref<3136xi32, #tpu.memory_space<vmem>> -> memref<16xi32, #tpu.memory_space<vmem>>
      %dma_wait3A_240 = tpu.memref_slice %arg2[%add3A_234] : memref<100000xi32, #tpu.memory_space<hbm>> -> memref<16xi32, #tpu.memory_space<hbm>>
      tpu.wait_dma2 semaphore(%arg11 : memref<!tpu.dma_semaphore, #tpu.memory_space<semaphore_mem>>) src(%dma_wait3A_240 : memref<16xi32, #tpu.memory_space<hbm>>) dst(%dma_wait3A_239 : memref<16xi32, #tpu.memory_space<vmem>>)
    } else {
    }
    %dma_start3A_28 = arith.constant 0 : i32
    %dma_start3A_29 = tpu.memref_slice %arg6[%dma_start3A_28] : memref<3136xi32, #tpu.memory_space<vmem>> -> memref<312xi32, #tpu.memory_space<vmem>>
    %dma_start3A_30 = arith.constant 0 : i32
    %dma_start3A_31 = arith.constant 0 : i32
    %dma_start3A_32 = tpu.memref_slice %arg5[%dma_start3A_30, %dma_start3A_31] : memref<94x128xf32, #tpu.memory_space<vmem_shared>> -> memref<94x128xf32, #tpu.memory_space<vmem_shared>>
    tpu.enqueue_indirect_dma source(%dma_start3A_32 : memref<94x128xf32, #tpu.memory_space<vmem_shared>>) target(%arg7 : memref<312x128xf32, #tpu.memory_space<vmem>>) offsets(%dma_start3A_29 : memref<312xi32, #tpu.memory_space<vmem>>) semaphore(%arg12 : memref<!tpu.dma_semaphore, #tpu.memory_space<semaphore_mem>>)
    %dma_start3A_33 = arith.constant 312 : i32
    %dma_start3A_34 = tpu.memref_slice %arg6[%dma_start3A_33] : memref<3136xi32, #tpu.memory_space<vmem>> -> memref<312xi32, #tpu.memory_space<vmem>>
    %dma_start3A_35 = arith.constant 0 : i32
    %dma_start3A_36 = arith.constant 0 : i32
    %dma_start3A_37 = tpu.memref_slice %arg5[%dma_start3A_35, %dma_start3A_36] : memref<94x128xf32, #tpu.memory_space<vmem_shared>> -> memref<94x128xf32, #tpu.memory_space<vmem_shared>>
    tpu.enqueue_indirect_dma source(%dma_start3A_37 : memref<94x128xf32, #tpu.memory_space<vmem_shared>>) target(%arg8 : memref<312x128xf32, #tpu.memory_space<vmem>>) offsets(%dma_start3A_34 : memref<312xi32, #tpu.memory_space<vmem>>) semaphore(%arg13 : memref<!tpu.dma_semaphore, #tpu.memory_space<semaphore_mem>>)
    %dma_start3A_38 = arith.constant 624 : i32
    %dma_start3A_39 = tpu.memref_slice %arg6[%dma_start3A_38] : memref<3136xi32, #tpu.memory_space<vmem>> -> memref<312xi32, #tpu.memory_space<vmem>>
    %dma_start3A_40 = arith.constant 0 : i32
    %dma_start3A_41 = arith.constant 0 : i32
    %dma_start3A_42 = tpu.memref_slice %arg5[%dma_start3A_40, %dma_start3A_41] : memref<94x128xf32, #tpu.memory_space<vmem_shared>> -> memref<94x128xf32, #tpu.memory_space<vmem_shared>>
    tpu.enqueue_indirect_dma source(%dma_start3A_42 : memref<94x128xf32, #tpu.memory_space<vmem_shared>>) target(%arg9 : memref<312x128xf32, #tpu.memory_space<vmem>>) offsets(%dma_start3A_39 : memref<312xi32, #tpu.memory_space<vmem>>) semaphore(%arg14 : memref<!tpu.dma_semaphore, #tpu.memory_space<semaphore_mem>>)
    %dma_wait3A_43 = arith.constant 0 : i32
    %dma_wait3A_44 = tpu.memref_slice %arg6[%dma_wait3A_43] : memref<3136xi32, #tpu.memory_space<vmem>> -> memref<312xi32, #tpu.memory_space<vmem>>
    %dma_wait3A_45 = arith.constant 0 : i32
    %dma_wait3A_46 = arith.constant 0 : i32
    %dma_wait3A_47 = tpu.memref_slice %arg5[%dma_wait3A_45, %dma_wait3A_46] : memref<94x128xf32, #tpu.memory_space<vmem_shared>> -> memref<94x128xf32, #tpu.memory_space<vmem_shared>>
    tpu.wait_indirect_dma semaphore(%arg12 : memref<!tpu.dma_semaphore, #tpu.memory_space<semaphore_mem>>) src(%dma_wait3A_47 : memref<94x128xf32, #tpu.memory_space<vmem_shared>>) dst(%arg7 : memref<312x128xf32, #tpu.memory_space<vmem>>)
    %add3A_48 = arith.constant 0 : i32
    %add3A_49 = arith.addi %add3A_6, %add3A_48 : i32
    %dma_start3A_50 = arith.constant 0 : i32
    %dma_start3A_51 = tpu.memref_slice %arg4[%add3A_49, %dma_start3A_50] : memref<100000x128xf32, #tpu.memory_space<hbm>> -> memref<312x128xf32, #tpu.memory_space<hbm>>
    %dma_start3A_52 = arith.constant 0 : i32
    %dma_start3A_53 = tpu.memref_slice %arg4[%add3A_49, %dma_start3A_52] : memref<100000x128xf32, #tpu.memory_space<hbm>> -> memref<312x128xf32, #tpu.memory_space<hbm>>
    tpu.enqueue_dma source(%arg7 : memref<312x128xf32, #tpu.memory_space<vmem>>) target(%dma_start3A_53 : memref<312x128xf32, #tpu.memory_space<hbm>>) target_semaphore(%arg15 : memref<!tpu.dma_semaphore, #tpu.memory_space<semaphore_mem>>)
    %dma_wait3A_54 = arith.constant 0 : i32
    %dma_wait3A_55 = tpu.memref_slice %arg4[%add3A_49, %dma_wait3A_54] : memref<100000x128xf32, #tpu.memory_space<hbm>> -> memref<312x128xf32, #tpu.memory_space<hbm>>
    %dma_wait3A_56 = arith.constant 0 : i32
    %dma_wait3A_57 = tpu.memref_slice %arg4[%add3A_49, %dma_wait3A_56] : memref<100000x128xf32, #tpu.memory_space<hbm>> -> memref<312x128xf32, #tpu.memory_space<hbm>>
    tpu.wait_dma2 semaphore(%arg15 : memref<!tpu.dma_semaphore, #tpu.memory_space<semaphore_mem>>) src(%arg7 : memref<312x128xf32, #tpu.memory_space<vmem>>) dst(%dma_wait3A_57 : memref<312x128xf32, #tpu.memory_space<hbm>>)
    %dma_start3A_58 = arith.constant 936 : i32
    %dma_start3A_59 = tpu.memref_slice %arg6[%dma_start3A_58] : memref<3136xi32, #tpu.memory_space<vmem>> -> memref<312xi32, #tpu.memory_space<vmem>>
    %dma_start3A_60 = arith.constant 0 : i32
    %dma_start3A_61 = arith.constant 0 : i32
    %dma_start3A_62 = tpu.memref_slice %arg5[%dma_start3A_60, %dma_start3A_61] : memref<94x128xf32, #tpu.memory_space<vmem_shared>> -> memref<94x128xf32, #tpu.memory_space<vmem_shared>>
    tpu.enqueue_indirect_dma source(%dma_start3A_62 : memref<94x128xf32, #tpu.memory_space<vmem_shared>>) target(%arg7 : memref<312x128xf32, #tpu.memory_space<vmem>>) offsets(%dma_start3A_59 : memref<312xi32, #tpu.memory_space<vmem>>) semaphore(%arg12 : memref<!tpu.dma_semaphore, #tpu.memory_space<semaphore_mem>>)
    %dma_wait3A_63 = arith.constant 312 : i32
    %dma_wait3A_64 = tpu.memref_slice %arg6[%dma_wait3A_63] : memref<3136xi32, #tpu.memory_space<vmem>> -> memref<312xi32, #tpu.memory_space<vmem>>
    %dma_wait3A_65 = arith.constant 0 : i32
    %dma_wait3A_66 = arith.constant 0 : i32
    %dma_wait3A_67 = tpu.memref_slice %arg5[%dma_wait3A_65, %dma_wait3A_66] : memref<94x128xf32, #tpu.memory_space<vmem_shared>> -> memref<94x128xf32, #tpu.memory_space<vmem_shared>>
    tpu.wait_indirect_dma semaphore(%arg13 : memref<!tpu.dma_semaphore, #tpu.memory_space<semaphore_mem>>) src(%dma_wait3A_67 : memref<94x128xf32, #tpu.memory_space<vmem_shared>>) dst(%arg8 : memref<312x128xf32, #tpu.memory_space<vmem>>)
    %add3A_68 = arith.constant 312 : i32
    %add3A_69 = arith.addi %add3A_6, %add3A_68 : i32
    %dma_start3A_70 = arith.constant 0 : i32
    %dma_start3A_71 = tpu.memref_slice %arg4[%add3A_69, %dma_start3A_70] : memref<100000x128xf32, #tpu.memory_space<hbm>> -> memref<312x128xf32, #tpu.memory_space<hbm>>
    %dma_start3A_72 = arith.constant 0 : i32
    %dma_start3A_73 = tpu.memref_slice %arg4[%add3A_69, %dma_start3A_72] : memref<100000x128xf32, #tpu.memory_space<hbm>> -> memref<312x128xf32, #tpu.memory_space<hbm>>
    tpu.enqueue_dma source(%arg8 : memref<312x128xf32, #tpu.memory_space<vmem>>) target(%dma_start3A_73 : memref<312x128xf32, #tpu.memory_space<hbm>>) target_semaphore(%arg16 : memref<!tpu.dma_semaphore, #tpu.memory_space<semaphore_mem>>)
    %dma_wait3A_74 = arith.constant 0 : i32
    %dma_wait3A_75 = tpu.memref_slice %arg4[%add3A_69, %dma_wait3A_74] : memref<100000x128xf32, #tpu.memory_space<hbm>> -> memref<312x128xf32, #tpu.memory_space<hbm>>
    %dma_wait3A_76 = arith.constant 0 : i32
    %dma_wait3A_77 = tpu.memref_slice %arg4[%add3A_69, %dma_wait3A_76] : memref<100000x128xf32, #tpu.memory_space<hbm>> -> memref<312x128xf32, #tpu.memory_space<hbm>>
    tpu.wait_dma2 semaphore(%arg16 : memref<!tpu.dma_semaphore, #tpu.memory_space<semaphore_mem>>) src(%arg8 : memref<312x128xf32, #tpu.memory_space<vmem>>) dst(%dma_wait3A_77 : memref<312x128xf32, #tpu.memory_space<hbm>>)
    %dma_start3A_78 = arith.constant 1248 : i32
    %dma_start3A_79 = tpu.memref_slice %arg6[%dma_start3A_78] : memref<3136xi32, #tpu.memory_space<vmem>> -> memref<312xi32, #tpu.memory_space<vmem>>
    %dma_start3A_80 = arith.constant 0 : i32
    %dma_start3A_81 = arith.constant 0 : i32
    %dma_start3A_82 = tpu.memref_slice %arg5[%dma_start3A_80, %dma_start3A_81] : memref<94x128xf32, #tpu.memory_space<vmem_shared>> -> memref<94x128xf32, #tpu.memory_space<vmem_shared>>
    tpu.enqueue_indirect_dma source(%dma_start3A_82 : memref<94x128xf32, #tpu.memory_space<vmem_shared>>) target(%arg8 : memref<312x128xf32, #tpu.memory_space<vmem>>) offsets(%dma_start3A_79 : memref<312xi32, #tpu.memory_space<vmem>>) semaphore(%arg13 : memref<!tpu.dma_semaphore, #tpu.memory_space<semaphore_mem>>)
    %dma_wait3A_83 = arith.constant 624 : i32
    %dma_wait3A_84 = tpu.memref_slice %arg6[%dma_wait3A_83] : memref<3136xi32, #tpu.memory_space<vmem>> -> memref<312xi32, #tpu.memory_space<vmem>>
    %dma_wait3A_85 = arith.constant 0 : i32
    %dma_wait3A_86 = arith.constant 0 : i32
    %dma_wait3A_87 = tpu.memref_slice %arg5[%dma_wait3A_85, %dma_wait3A_86] : memref<94x128xf32, #tpu.memory_space<vmem_shared>> -> memref<94x128xf32, #tpu.memory_space<vmem_shared>>
    tpu.wait_indirect_dma semaphore(%arg14 : memref<!tpu.dma_semaphore, #tpu.memory_space<semaphore_mem>>) src(%dma_wait3A_87 : memref<94x128xf32, #tpu.memory_space<vmem_shared>>) dst(%arg9 : memref<312x128xf32, #tpu.memory_space<vmem>>)
    %add3A_88 = arith.constant 624 : i32
    %add3A_89 = arith.addi %add3A_6, %add3A_88 : i32
    %dma_start3A_90 = arith.constant 0 : i32
    %dma_start3A_91 = tpu.memref_slice %arg4[%add3A_89, %dma_start3A_90] : memref<100000x128xf32, #tpu.memory_space<hbm>> -> memref<312x128xf32, #tpu.memory_space<hbm>>
    %dma_start3A_92 = arith.constant 0 : i32
    %dma_start3A_93 = tpu.memref_slice %arg4[%add3A_89, %dma_start3A_92] : memref<100000x128xf32, #tpu.memory_space<hbm>> -> memref<312x128xf32, #tpu.memory_space<hbm>>
    tpu.enqueue_dma source(%arg9 : memref<312x128xf32, #tpu.memory_space<vmem>>) target(%dma_start3A_93 : memref<312x128xf32, #tpu.memory_space<hbm>>) target_semaphore(%arg17 : memref<!tpu.dma_semaphore, #tpu.memory_space<semaphore_mem>>)
    %dma_wait3A_94 = arith.constant 0 : i32
    %dma_wait3A_95 = tpu.memref_slice %arg4[%add3A_89, %dma_wait3A_94] : memref<100000x128xf32, #tpu.memory_space<hbm>> -> memref<312x128xf32, #tpu.memory_space<hbm>>
    %dma_wait3A_96 = arith.constant 0 : i32
    %dma_wait3A_97 = tpu.memref_slice %arg4[%add3A_89, %dma_wait3A_96] : memref<100000x128xf32, #tpu.memory_space<hbm>> -> memref<312x128xf32, #tpu.memory_space<hbm>>
    tpu.wait_dma2 semaphore(%arg17 : memref<!tpu.dma_semaphore, #tpu.memory_space<semaphore_mem>>) src(%arg9 : memref<312x128xf32, #tpu.memory_space<vmem>>) dst(%dma_wait3A_97 : memref<312x128xf32, #tpu.memory_space<hbm>>)
    %dma_start3A_98 = arith.constant 1560 : i32
    %dma_start3A_99 = tpu.memref_slice %arg6[%dma_start3A_98] : memref<3136xi32, #tpu.memory_space<vmem>> -> memref<312xi32, #tpu.memory_space<vmem>>
    %dma_start3A_100 = arith.constant 0 : i32
    %dma_start3A_101 = arith.constant 0 : i32
    %dma_start3A_102 = tpu.memref_slice %arg5[%dma_start3A_100, %dma_start3A_101] : memref<94x128xf32, #tpu.memory_space<vmem_shared>> -> memref<94x128xf32, #tpu.memory_space<vmem_shared>>
    tpu.enqueue_indirect_dma source(%dma_start3A_102 : memref<94x128xf32, #tpu.memory_space<vmem_shared>>) target(%arg9 : memref<312x128xf32, #tpu.memory_space<vmem>>) offsets(%dma_start3A_99 : memref<312xi32, #tpu.memory_space<vmem>>) semaphore(%arg14 : memref<!tpu.dma_semaphore, #tpu.memory_space<semaphore_mem>>)
    %dma_wait3A_103 = arith.constant 936 : i32
    %dma_wait3A_104 = tpu.memref_slice %arg6[%dma_wait3A_103] : memref<3136xi32, #tpu.memory_space<vmem>> -> memref<312xi32, #tpu.memory_space<vmem>>
    %dma_wait3A_105 = arith.constant 0 : i32
    %dma_wait3A_106 = arith.constant 0 : i32
    %dma_wait3A_107 = tpu.memref_slice %arg5[%dma_wait3A_105, %dma_wait3A_106] : memref<94x128xf32, #tpu.memory_space<vmem_shared>> -> memref<94x128xf32, #tpu.memory_space<vmem_shared>>
    tpu.wait_indirect_dma semaphore(%arg12 : memref<!tpu.dma_semaphore, #tpu.memory_space<semaphore_mem>>) src(%dma_wait3A_107 : memref<94x128xf32, #tpu.memory_space<vmem_shared>>) dst(%arg7 : memref<312x128xf32, #tpu.memory_space<vmem>>)
    %add3A_108 = arith.constant 936 : i32
    %add3A_109 = arith.addi %add3A_6, %add3A_108 : i32
    %dma_start3A_110 = arith.constant 0 : i32
    %dma_start3A_111 = tpu.memref_slice %arg4[%add3A_109, %dma_start3A_110] : memref<100000x128xf32, #tpu.memory_space<hbm>> -> memref<312x128xf32, #tpu.memory_space<hbm>>
    %dma_start3A_112 = arith.constant 0 : i32
    %dma_start3A_113 = tpu.memref_slice %arg4[%add3A_109, %dma_start3A_112] : memref<100000x128xf32, #tpu.memory_space<hbm>> -> memref<312x128xf32, #tpu.memory_space<hbm>>
    tpu.enqueue_dma source(%arg7 : memref<312x128xf32, #tpu.memory_space<vmem>>) target(%dma_start3A_113 : memref<312x128xf32, #tpu.memory_space<hbm>>) target_semaphore(%arg15 : memref<!tpu.dma_semaphore, #tpu.memory_space<semaphore_mem>>)
    %dma_wait3A_114 = arith.constant 0 : i32
    %dma_wait3A_115 = tpu.memref_slice %arg4[%add3A_109, %dma_wait3A_114] : memref<100000x128xf32, #tpu.memory_space<hbm>> -> memref<312x128xf32, #tpu.memory_space<hbm>>
    %dma_wait3A_116 = arith.constant 0 : i32
    %dma_wait3A_117 = tpu.memref_slice %arg4[%add3A_109, %dma_wait3A_116] : memref<100000x128xf32, #tpu.memory_space<hbm>> -> memref<312x128xf32, #tpu.memory_space<hbm>>
    tpu.wait_dma2 semaphore(%arg15 : memref<!tpu.dma_semaphore, #tpu.memory_space<semaphore_mem>>) src(%arg7 : memref<312x128xf32, #tpu.memory_space<vmem>>) dst(%dma_wait3A_117 : memref<312x128xf32, #tpu.memory_space<hbm>>)
    %dma_start3A_118 = arith.constant 1872 : i32
    %dma_start3A_119 = tpu.memref_slice %arg6[%dma_start3A_118] : memref<3136xi32, #tpu.memory_space<vmem>> -> memref<312xi32, #tpu.memory_space<vmem>>
    %dma_start3A_120 = arith.constant 0 : i32
    %dma_start3A_121 = arith.constant 0 : i32
    %dma_start3A_122 = tpu.memref_slice %arg5[%dma_start3A_120, %dma_start3A_121] : memref<94x128xf32, #tpu.memory_space<vmem_shared>> -> memref<94x128xf32, #tpu.memory_space<vmem_shared>>
    tpu.enqueue_indirect_dma source(%dma_start3A_122 : memref<94x128xf32, #tpu.memory_space<vmem_shared>>) target(%arg7 : memref<312x128xf32, #tpu.memory_space<vmem>>) offsets(%dma_start3A_119 : memref<312xi32, #tpu.memory_space<vmem>>) semaphore(%arg12 : memref<!tpu.dma_semaphore, #tpu.memory_space<semaphore_mem>>)
    %dma_wait3A_123 = arith.constant 1248 : i32
    %dma_wait3A_124 = tpu.memref_slice %arg6[%dma_wait3A_123] : memref<3136xi32, #tpu.memory_space<vmem>> -> memref<312xi32, #tpu.memory_space<vmem>>
    %dma_wait3A_125 = arith.constant 0 : i32
    %dma_wait3A_126 = arith.constant 0 : i32
    %dma_wait3A_127 = tpu.memref_slice %arg5[%dma_wait3A_125, %dma_wait3A_126] : memref<94x128xf32, #tpu.memory_space<vmem_shared>> -> memref<94x128xf32, #tpu.memory_space<vmem_shared>>
    tpu.wait_indirect_dma semaphore(%arg13 : memref<!tpu.dma_semaphore, #tpu.memory_space<semaphore_mem>>) src(%dma_wait3A_127 : memref<94x128xf32, #tpu.memory_space<vmem_shared>>) dst(%arg8 : memref<312x128xf32, #tpu.memory_space<vmem>>)
    %add3A_128 = arith.constant 1248 : i32
    %add3A_129 = arith.addi %add3A_6, %add3A_128 : i32
    %dma_start3A_130 = arith.constant 0 : i32
    %dma_start3A_131 = tpu.memref_slice %arg4[%add3A_129, %dma_start3A_130] : memref<100000x128xf32, #tpu.memory_space<hbm>> -> memref<312x128xf32, #tpu.memory_space<hbm>>
    %dma_start3A_132 = arith.constant 0 : i32
    %dma_start3A_133 = tpu.memref_slice %arg4[%add3A_129, %dma_start3A_132] : memref<100000x128xf32, #tpu.memory_space<hbm>> -> memref<312x128xf32, #tpu.memory_space<hbm>>
    tpu.enqueue_dma source(%arg8 : memref<312x128xf32, #tpu.memory_space<vmem>>) target(%dma_start3A_133 : memref<312x128xf32, #tpu.memory_space<hbm>>) target_semaphore(%arg16 : memref<!tpu.dma_semaphore, #tpu.memory_space<semaphore_mem>>)
    %dma_wait3A_134 = arith.constant 0 : i32
    %dma_wait3A_135 = tpu.memref_slice %arg4[%add3A_129, %dma_wait3A_134] : memref<100000x128xf32, #tpu.memory_space<hbm>> -> memref<312x128xf32, #tpu.memory_space<hbm>>
    %dma_wait3A_136 = arith.constant 0 : i32
    %dma_wait3A_137 = tpu.memref_slice %arg4[%add3A_129, %dma_wait3A_136] : memref<100000x128xf32, #tpu.memory_space<hbm>> -> memref<312x128xf32, #tpu.memory_space<hbm>>
    tpu.wait_dma2 semaphore(%arg16 : memref<!tpu.dma_semaphore, #tpu.memory_space<semaphore_mem>>) src(%arg8 : memref<312x128xf32, #tpu.memory_space<vmem>>) dst(%dma_wait3A_137 : memref<312x128xf32, #tpu.memory_space<hbm>>)
    %dma_start3A_138 = arith.constant 2184 : i32
    %dma_start3A_139 = tpu.memref_slice %arg6[%dma_start3A_138] : memref<3136xi32, #tpu.memory_space<vmem>> -> memref<312xi32, #tpu.memory_space<vmem>>
    %dma_start3A_140 = arith.constant 0 : i32
    %dma_start3A_141 = arith.constant 0 : i32
    %dma_start3A_142 = tpu.memref_slice %arg5[%dma_start3A_140, %dma_start3A_141] : memref<94x128xf32, #tpu.memory_space<vmem_shared>> -> memref<94x128xf32, #tpu.memory_space<vmem_shared>>
    tpu.enqueue_indirect_dma source(%dma_start3A_142 : memref<94x128xf32, #tpu.memory_space<vmem_shared>>) target(%arg8 : memref<312x128xf32, #tpu.memory_space<vmem>>) offsets(%dma_start3A_139 : memref<312xi32, #tpu.memory_space<vmem>>) semaphore(%arg13 : memref<!tpu.dma_semaphore, #tpu.memory_space<semaphore_mem>>)
    %dma_wait3A_143 = arith.constant 1560 : i32
    %dma_wait3A_144 = tpu.memref_slice %arg6[%dma_wait3A_143] : memref<3136xi32, #tpu.memory_space<vmem>> -> memref<312xi32, #tpu.memory_space<vmem>>
    %dma_wait3A_145 = arith.constant 0 : i32
    %dma_wait3A_146 = arith.constant 0 : i32
    %dma_wait3A_147 = tpu.memref_slice %arg5[%dma_wait3A_145, %dma_wait3A_146] : memref<94x128xf32, #tpu.memory_space<vmem_shared>> -> memref<94x128xf32, #tpu.memory_space<vmem_shared>>
    tpu.wait_indirect_dma semaphore(%arg14 : memref<!tpu.dma_semaphore, #tpu.memory_space<semaphore_mem>>) src(%dma_wait3A_147 : memref<94x128xf32, #tpu.memory_space<vmem_shared>>) dst(%arg9 : memref<312x128xf32, #tpu.memory_space<vmem>>)
    %add3A_148 = arith.constant 1560 : i32
    %add3A_149 = arith.addi %add3A_6, %add3A_148 : i32
    %dma_start3A_150 = arith.constant 0 : i32
    %dma_start3A_151 = tpu.memref_slice %arg4[%add3A_149, %dma_start3A_150] : memref<100000x128xf32, #tpu.memory_space<hbm>> -> memref<312x128xf32, #tpu.memory_space<hbm>>
    %dma_start3A_152 = arith.constant 0 : i32
    %dma_start3A_153 = tpu.memref_slice %arg4[%add3A_149, %dma_start3A_152] : memref<100000x128xf32, #tpu.memory_space<hbm>> -> memref<312x128xf32, #tpu.memory_space<hbm>>
    tpu.enqueue_dma source(%arg9 : memref<312x128xf32, #tpu.memory_space<vmem>>) target(%dma_start3A_153 : memref<312x128xf32, #tpu.memory_space<hbm>>) target_semaphore(%arg17 : memref<!tpu.dma_semaphore, #tpu.memory_space<semaphore_mem>>)
    %dma_wait3A_154 = arith.constant 0 : i32
    %dma_wait3A_155 = tpu.memref_slice %arg4[%add3A_149, %dma_wait3A_154] : memref<100000x128xf32, #tpu.memory_space<hbm>> -> memref<312x128xf32, #tpu.memory_space<hbm>>
    %dma_wait3A_156 = arith.constant 0 : i32
    %dma_wait3A_157 = tpu.memref_slice %arg4[%add3A_149, %dma_wait3A_156] : memref<100000x128xf32, #tpu.memory_space<hbm>> -> memref<312x128xf32, #tpu.memory_space<hbm>>
    tpu.wait_dma2 semaphore(%arg17 : memref<!tpu.dma_semaphore, #tpu.memory_space<semaphore_mem>>) src(%arg9 : memref<312x128xf32, #tpu.memory_space<vmem>>) dst(%dma_wait3A_157 : memref<312x128xf32, #tpu.memory_space<hbm>>)
    %dma_start3A_158 = arith.constant 2496 : i32
    %dma_start3A_159 = tpu.memref_slice %arg6[%dma_start3A_158] : memref<3136xi32, #tpu.memory_space<vmem>> -> memref<312xi32, #tpu.memory_space<vmem>>
    %dma_start3A_160 = arith.constant 0 : i32
    %dma_start3A_161 = arith.constant 0 : i32
    %dma_start3A_162 = tpu.memref_slice %arg5[%dma_start3A_160, %dma_start3A_161] : memref<94x128xf32, #tpu.memory_space<vmem_shared>> -> memref<94x128xf32, #tpu.memory_space<vmem_shared>>
    tpu.enqueue_indirect_dma source(%dma_start3A_162 : memref<94x128xf32, #tpu.memory_space<vmem_shared>>) target(%arg9 : memref<312x128xf32, #tpu.memory_space<vmem>>) offsets(%dma_start3A_159 : memref<312xi32, #tpu.memory_space<vmem>>) semaphore(%arg14 : memref<!tpu.dma_semaphore, #tpu.memory_space<semaphore_mem>>)
    %dma_wait3A_163 = arith.constant 1872 : i32
    %dma_wait3A_164 = tpu.memref_slice %arg6[%dma_wait3A_163] : memref<3136xi32, #tpu.memory_space<vmem>> -> memref<312xi32, #tpu.memory_space<vmem>>
    %dma_wait3A_165 = arith.constant 0 : i32
    %dma_wait3A_166 = arith.constant 0 : i32
    %dma_wait3A_167 = tpu.memref_slice %arg5[%dma_wait3A_165, %dma_wait3A_166] : memref<94x128xf32, #tpu.memory_space<vmem_shared>> -> memref<94x128xf32, #tpu.memory_space<vmem_shared>>
    tpu.wait_indirect_dma semaphore(%arg12 : memref<!tpu.dma_semaphore, #tpu.memory_space<semaphore_mem>>) src(%dma_wait3A_167 : memref<94x128xf32, #tpu.memory_space<vmem_shared>>) dst(%arg7 : memref<312x128xf32, #tpu.memory_space<vmem>>)
    %add3A_168 = arith.constant 1872 : i32
    %add3A_169 = arith.addi %add3A_6, %add3A_168 : i32
    %dma_start3A_170 = arith.constant 0 : i32
    %dma_start3A_171 = tpu.memref_slice %arg4[%add3A_169, %dma_start3A_170] : memref<100000x128xf32, #tpu.memory_space<hbm>> -> memref<312x128xf32, #tpu.memory_space<hbm>>
    %dma_start3A_172 = arith.constant 0 : i32
    %dma_start3A_173 = tpu.memref_slice %arg4[%add3A_169, %dma_start3A_172] : memref<100000x128xf32, #tpu.memory_space<hbm>> -> memref<312x128xf32, #tpu.memory_space<hbm>>
    tpu.enqueue_dma source(%arg7 : memref<312x128xf32, #tpu.memory_space<vmem>>) target(%dma_start3A_173 : memref<312x128xf32, #tpu.memory_space<hbm>>) target_semaphore(%arg15 : memref<!tpu.dma_semaphore, #tpu.memory_space<semaphore_mem>>)
    %dma_wait3A_174 = arith.constant 0 : i32
    %dma_wait3A_175 = tpu.memref_slice %arg4[%add3A_169, %dma_wait3A_174] : memref<100000x128xf32, #tpu.memory_space<hbm>> -> memref<312x128xf32, #tpu.memory_space<hbm>>
    %dma_wait3A_176 = arith.constant 0 : i32
    %dma_wait3A_177 = tpu.memref_slice %arg4[%add3A_169, %dma_wait3A_176] : memref<100000x128xf32, #tpu.memory_space<hbm>> -> memref<312x128xf32, #tpu.memory_space<hbm>>
    tpu.wait_dma2 semaphore(%arg15 : memref<!tpu.dma_semaphore, #tpu.memory_space<semaphore_mem>>) src(%arg7 : memref<312x128xf32, #tpu.memory_space<vmem>>) dst(%dma_wait3A_177 : memref<312x128xf32, #tpu.memory_space<hbm>>)
    %dma_start3A_178 = arith.constant 2808 : i32
    %dma_start3A_179 = tpu.memref_slice %arg6[%dma_start3A_178] : memref<3136xi32, #tpu.memory_space<vmem>> -> memref<312xi32, #tpu.memory_space<vmem>>
    %dma_start3A_180 = arith.constant 0 : i32
    %dma_start3A_181 = arith.constant 0 : i32
    %dma_start3A_182 = tpu.memref_slice %arg5[%dma_start3A_180, %dma_start3A_181] : memref<94x128xf32, #tpu.memory_space<vmem_shared>> -> memref<94x128xf32, #tpu.memory_space<vmem_shared>>
    tpu.enqueue_indirect_dma source(%dma_start3A_182 : memref<94x128xf32, #tpu.memory_space<vmem_shared>>) target(%arg7 : memref<312x128xf32, #tpu.memory_space<vmem>>) offsets(%dma_start3A_179 : memref<312xi32, #tpu.memory_space<vmem>>) semaphore(%arg12 : memref<!tpu.dma_semaphore, #tpu.memory_space<semaphore_mem>>)
    %dma_wait3A_183 = arith.constant 2184 : i32
    %dma_wait3A_184 = tpu.memref_slice %arg6[%dma_wait3A_183] : memref<3136xi32, #tpu.memory_space<vmem>> -> memref<312xi32, #tpu.memory_space<vmem>>
    %dma_wait3A_185 = arith.constant 0 : i32
    %dma_wait3A_186 = arith.constant 0 : i32
    %dma_wait3A_187 = tpu.memref_slice %arg5[%dma_wait3A_185, %dma_wait3A_186] : memref<94x128xf32, #tpu.memory_space<vmem_shared>> -> memref<94x128xf32, #tpu.memory_space<vmem_shared>>
    tpu.wait_indirect_dma semaphore(%arg13 : memref<!tpu.dma_semaphore, #tpu.memory_space<semaphore_mem>>) src(%dma_wait3A_187 : memref<94x128xf32, #tpu.memory_space<vmem_shared>>) dst(%arg8 : memref<312x128xf32, #tpu.memory_space<vmem>>)
    %add3A_188 = arith.constant 2184 : i32
    %add3A_189 = arith.addi %add3A_6, %add3A_188 : i32
    %dma_start3A_190 = arith.constant 0 : i32
    %dma_start3A_191 = tpu.memref_slice %arg4[%add3A_189, %dma_start3A_190] : memref<100000x128xf32, #tpu.memory_space<hbm>> -> memref<312x128xf32, #tpu.memory_space<hbm>>
    %dma_start3A_192 = arith.constant 0 : i32
    %dma_start3A_193 = tpu.memref_slice %arg4[%add3A_189, %dma_start3A_192] : memref<100000x128xf32, #tpu.memory_space<hbm>> -> memref<312x128xf32, #tpu.memory_space<hbm>>
    tpu.enqueue_dma source(%arg8 : memref<312x128xf32, #tpu.memory_space<vmem>>) target(%dma_start3A_193 : memref<312x128xf32, #tpu.memory_space<hbm>>) target_semaphore(%arg16 : memref<!tpu.dma_semaphore, #tpu.memory_space<semaphore_mem>>)
    %dma_wait3A_194 = arith.constant 2496 : i32
    %dma_wait3A_195 = tpu.memref_slice %arg6[%dma_wait3A_194] : memref<3136xi32, #tpu.memory_space<vmem>> -> memref<312xi32, #tpu.memory_space<vmem>>
    %dma_wait3A_196 = arith.constant 0 : i32
    %dma_wait3A_197 = arith.constant 0 : i32
    %dma_wait3A_198 = tpu.memref_slice %arg5[%dma_wait3A_196, %dma_wait3A_197] : memref<94x128xf32, #tpu.memory_space<vmem_shared>> -> memref<94x128xf32, #tpu.memory_space<vmem_shared>>
    tpu.wait_indirect_dma semaphore(%arg14 : memref<!tpu.dma_semaphore, #tpu.memory_space<semaphore_mem>>) src(%dma_wait3A_198 : memref<94x128xf32, #tpu.memory_space<vmem_shared>>) dst(%arg9 : memref<312x128xf32, #tpu.memory_space<vmem>>)
    %add3A_199 = arith.constant 2496 : i32
    %add3A_200 = arith.addi %add3A_6, %add3A_199 : i32
    %dma_start3A_201 = arith.constant 0 : i32
    %dma_start3A_202 = tpu.memref_slice %arg4[%add3A_200, %dma_start3A_201] : memref<100000x128xf32, #tpu.memory_space<hbm>> -> memref<312x128xf32, #tpu.memory_space<hbm>>
    %dma_start3A_203 = arith.constant 0 : i32
    %dma_start3A_204 = tpu.memref_slice %arg4[%add3A_200, %dma_start3A_203] : memref<100000x128xf32, #tpu.memory_space<hbm>> -> memref<312x128xf32, #tpu.memory_space<hbm>>
    tpu.enqueue_dma source(%arg9 : memref<312x128xf32, #tpu.memory_space<vmem>>) target(%dma_start3A_204 : memref<312x128xf32, #tpu.memory_space<hbm>>) target_semaphore(%arg17 : memref<!tpu.dma_semaphore, #tpu.memory_space<semaphore_mem>>)
    %dma_wait3A_205 = arith.constant 2808 : i32
    %dma_wait3A_206 = tpu.memref_slice %arg6[%dma_wait3A_205] : memref<3136xi32, #tpu.memory_space<vmem>> -> memref<312xi32, #tpu.memory_space<vmem>>
    %dma_wait3A_207 = arith.constant 0 : i32
    %dma_wait3A_208 = arith.constant 0 : i32
    %dma_wait3A_209 = tpu.memref_slice %arg5[%dma_wait3A_207, %dma_wait3A_208] : memref<94x128xf32, #tpu.memory_space<vmem_shared>> -> memref<94x128xf32, #tpu.memory_space<vmem_shared>>
    tpu.wait_indirect_dma semaphore(%arg12 : memref<!tpu.dma_semaphore, #tpu.memory_space<semaphore_mem>>) src(%dma_wait3A_209 : memref<94x128xf32, #tpu.memory_space<vmem_shared>>) dst(%arg7 : memref<312x128xf32, #tpu.memory_space<vmem>>)
    %add3A_210 = arith.constant 2808 : i32
    %add3A_211 = arith.addi %add3A_6, %add3A_210 : i32
    %dma_start3A_212 = arith.constant 0 : i32
    %dma_start3A_213 = tpu.memref_slice %arg4[%add3A_211, %dma_start3A_212] : memref<100000x128xf32, #tpu.memory_space<hbm>> -> memref<312x128xf32, #tpu.memory_space<hbm>>
    %dma_start3A_214 = arith.constant 0 : i32
    %dma_start3A_215 = tpu.memref_slice %arg4[%add3A_211, %dma_start3A_214] : memref<100000x128xf32, #tpu.memory_space<hbm>> -> memref<312x128xf32, #tpu.memory_space<hbm>>
    tpu.enqueue_dma source(%arg7 : memref<312x128xf32, #tpu.memory_space<vmem>>) target(%dma_start3A_215 : memref<312x128xf32, #tpu.memory_space<hbm>>) target_semaphore(%arg15 : memref<!tpu.dma_semaphore, #tpu.memory_space<semaphore_mem>>)
    %dma_wait3A_216 = arith.constant 0 : i32
    %dma_wait3A_217 = tpu.memref_slice %arg4[%add3A_189, %dma_wait3A_216] : memref<100000x128xf32, #tpu.memory_space<hbm>> -> memref<312x128xf32, #tpu.memory_space<hbm>>
    %dma_wait3A_218 = arith.constant 0 : i32
    %dma_wait3A_219 = tpu.memref_slice %arg4[%add3A_189, %dma_wait3A_218] : memref<100000x128xf32, #tpu.memory_space<hbm>> -> memref<312x128xf32, #tpu.memory_space<hbm>>
    tpu.wait_dma2 semaphore(%arg16 : memref<!tpu.dma_semaphore, #tpu.memory_space<semaphore_mem>>) src(%arg8 : memref<312x128xf32, #tpu.memory_space<vmem>>) dst(%dma_wait3A_219 : memref<312x128xf32, #tpu.memory_space<hbm>>)
    %dma_wait3A_220 = arith.constant 0 : i32
    %dma_wait3A_221 = tpu.memref_slice %arg4[%add3A_200, %dma_wait3A_220] : memref<100000x128xf32, #tpu.memory_space<hbm>> -> memref<312x128xf32, #tpu.memory_space<hbm>>
    %dma_wait3A_222 = arith.constant 0 : i32
    %dma_wait3A_223 = tpu.memref_slice %arg4[%add3A_200, %dma_wait3A_222] : memref<100000x128xf32, #tpu.memory_space<hbm>> -> memref<312x128xf32, #tpu.memory_space<hbm>>
    tpu.wait_dma2 semaphore(%arg17 : memref<!tpu.dma_semaphore, #tpu.memory_space<semaphore_mem>>) src(%arg9 : memref<312x128xf32, #tpu.memory_space<vmem>>) dst(%dma_wait3A_223 : memref<312x128xf32, #tpu.memory_space<hbm>>)
    %dma_wait3A_224 = arith.constant 0 : i32
    %dma_wait3A_225 = tpu.memref_slice %arg4[%add3A_211, %dma_wait3A_224] : memref<100000x128xf32, #tpu.memory_space<hbm>> -> memref<312x128xf32, #tpu.memory_space<hbm>>
    %dma_wait3A_226 = arith.constant 0 : i32
    %dma_wait3A_227 = tpu.memref_slice %arg4[%add3A_211, %dma_wait3A_226] : memref<100000x128xf32, #tpu.memory_space<hbm>> -> memref<312x128xf32, #tpu.memory_space<hbm>>
    tpu.wait_dma2 semaphore(%arg15 : memref<!tpu.dma_semaphore, #tpu.memory_space<semaphore_mem>>) src(%arg7 : memref<312x128xf32, #tpu.memory_space<vmem>>) dst(%dma_wait3A_227 : memref<312x128xf32, #tpu.memory_space<hbm>>)
    %lt3A_228 = arith.constant 10 : i32
    %lt3A_229 = arith.cmpi slt, %add3A, %lt3A_228 : i32
    %convert_element_type3A_230 = arith.extui %lt3A_229 : i1 to i32
    %cond3A_231 = arith.constant 0 : i32
    %cond3A_232 = arith.cmpi ne, %convert_element_type3A_230, %cond3A_231 : i32
    scf.if %cond3A_232 {
      %dma_start3A_233 = arith.constant 3120 : i32
      %dma_start3A_234 = tpu.memref_slice %arg6[%dma_start3A_233] : memref<3136xi32, #tpu.memory_space<vmem>> -> memref<16xi32, #tpu.memory_space<vmem>>
      %dma_start3A_235 = arith.constant 0 : i32
      %dma_start3A_236 = arith.constant 0 : i32
      %dma_start3A_237 = tpu.memref_slice %arg5[%dma_start3A_235, %dma_start3A_236] : memref<94x128xf32, #tpu.memory_space<vmem_shared>> -> memref<94x128xf32, #tpu.memory_space<vmem_shared>>
      tpu.enqueue_indirect_dma source(%dma_start3A_237 : memref<94x128xf32, #tpu.memory_space<vmem_shared>>) target(%arg10 : memref<16x128xf32, #tpu.memory_space<vmem>>) offsets(%dma_start3A_234 : memref<16xi32, #tpu.memory_space<vmem>>) semaphore(%arg12 : memref<!tpu.dma_semaphore, #tpu.memory_space<semaphore_mem>>)
      %dma_wait3A_238 = arith.constant 3120 : i32
      %dma_wait3A_239 = tpu.memref_slice %arg6[%dma_wait3A_238] : memref<3136xi32, #tpu.memory_space<vmem>> -> memref<16xi32, #tpu.memory_space<vmem>>
      %dma_wait3A_240 = arith.constant 0 : i32
      %dma_wait3A_241 = arith.constant 0 : i32
      %dma_wait3A_242 = tpu.memref_slice %arg5[%dma_wait3A_240, %dma_wait3A_241] : memref<94x128xf32, #tpu.memory_space<vmem_shared>> -> memref<94x128xf32, #tpu.memory_space<vmem_shared>>
      tpu.wait_indirect_dma semaphore(%arg12 : memref<!tpu.dma_semaphore, #tpu.memory_space<semaphore_mem>>) src(%dma_wait3A_242 : memref<94x128xf32, #tpu.memory_space<vmem_shared>>) dst(%arg10 : memref<16x128xf32, #tpu.memory_space<vmem>>)
      %add3A_243 = arith.constant 3120 : i32
      %add3A_244 = arith.addi %add3A_6, %add3A_243 : i32
      "tpu.region"() ({
        %run_scoped3A = tpu.sem_alloc : memref<!tpu.dma_semaphore, #tpu.memory_space<semaphore_mem>>
        %dma_start3A_245 = arith.constant 0 : i32
        %dma_start3A_246 = tpu.memref_slice %arg4[%add3A_244, %dma_start3A_245] : memref<100000x128xf32, #tpu.memory_space<hbm>> -> memref<16x128xf32, #tpu.memory_space<hbm>>
        %dma_start3A_247 = arith.constant 0 : i32
        %dma_start3A_248 = tpu.memref_slice %arg4[%add3A_244, %dma_start3A_247] : memref<100000x128xf32, #tpu.memory_space<hbm>> -> memref<16x128xf32, #tpu.memory_space<hbm>>
        tpu.enqueue_dma source(%arg10 : memref<16x128xf32, #tpu.memory_space<vmem>>) target(%dma_start3A_248 : memref<16x128xf32, #tpu.memory_space<hbm>>) target_semaphore(%run_scoped3A : memref<!tpu.dma_semaphore, #tpu.memory_space<semaphore_mem>>)
        %dma_wait3A_249 = arith.constant 0 : i32
        %dma_wait3A_250 = tpu.memref_slice %arg4[%add3A_244, %dma_wait3A_249] : memref<100000x128xf32, #tpu.memory_space<hbm>> -> memref<16x128xf32, #tpu.memory_space<hbm>>
        %dma_wait3A_251 = arith.constant 0 : i32
        %dma_wait3A_252 = tpu.memref_slice %arg4[%add3A_244, %dma_wait3A_251] : memref<100000x128xf32, #tpu.memory_space<hbm>> -> memref<16x128xf32, #tpu.memory_space<hbm>>
        tpu.wait_dma2 semaphore(%run_scoped3A : memref<!tpu.dma_semaphore, #tpu.memory_space<semaphore_mem>>) src(%arg10 : memref<16x128xf32, #tpu.memory_space<vmem>>) dst(%dma_wait3A_252 : memref<16x128xf32, #tpu.memory_space<hbm>>)
        tpu.yield
      }) : () -> ()
    } else {
    }
    return
  }
}

</mosaic_0001>

<sc_bundles>
// kernel: kernel.3.cloned.1.call-start
scs
__scs_entry_jumppad:
0x0: {  	(pc) =	sbr.rel $0x88, $3  }
0x1: {  	(tag) =	ssettag $0x0;
	lr =	simm.s32 $0x1  }
0x2: {  	[smem:$0x3F9F] =	sst lr;
	_ =	strace $0xD0000000  }
0x3: {  	_ = 	snop  }
0x4: {  	_ = 	snop  }
0x5: {  	_ = 	snop  }
0x6: {  	_ = 	snop  }
0x7: {  	_ = 	snop  }
__scs_overlays_trampoline_lowered:
0x8: {  	[smem:$0x3FAE] =	sst s0  }
0x9: {  	[smem:$0x3FAF] =	sst s1  }
0xa: {  	[smem:$0x3FB0] =	sst s2  }
0xb: {  	[smem:$0x3FB1] =	sst s3  }
0xc: {  	[smem:$0x3FB2] =	sst s4  }
0xd: {  	[smem:$0x3FB3] =	sst s5  }
0xe: {  	[smem:$0x3FB4] =	sst s6  }
0xf: {  	[smem:$0x3FB5] =	sst s7  }
0x10: {  	[smem:$0x3FB6] =	sst s8  }
0x11: {  	[smem:$0x3FB7] =	sst s9;
	s0 =	simm.s32 @!p0 $0x0  }
0x12: {  	s1 =	sld [smem:$0x3F9D];
	s0 =	simm.s32 @p0 $0x1  }
0x13: {  	[smem:$0x3FB8] =	sst s0;
	s0 =	simm.s32 @!p1 $0x0  }
0x14: {  	s2 =	sld [smem:$0x3F9C];
	s0 =	simm.s32 @p1 $0x1  }
0x15: {  	[smem:$0x3FB9] =	sst s0;
	s0 =	simm.s32 @!p2 $0x0  }
0x16: {  	s3 =	sld [smem:$0x3FDB];
	s0 =	simm.s32 @p2 $0x1  }
0x17: {  	s4 =	simm.s32 $0x1BF5;
	[smem:$0x3FBB] =	sst s0  }
0x18: {  	s0 =	sld [smem:$0x3F9E];
	_ =	swait.ge [sflag:s4], $0x0  }
0x19: {  	s7 =	sld [smem:$0x3F9F]  }
0x1a: {  	s8 =	sadd.s32 $0xFFFFE003, lr  }
0x1b: {  	s9 =	sadd.s32 $0xFFFFFEF7, lr;
	s5 =	simm.s32 $0xFFFFFFFF;
	p2 =	slt.u32 s8, $0xFFFFF086  }
0x1c: {  	p1 =	slt.u32 s9, $0xF7A;
	s5 =	simm.s32 @!p2 $0x0  }
0x1d: {  	s5 =	simm.s32 @p1 $0x1;
	p0 =	seq.s32 s7, s2  }
0x1e: {  	s7 =	smul.u32 @!p0 $0xF7A, s2;
	p2 =	seq.s32 @!p0 s5, $0x0  }
0x1f: {  	s9 =	smul.u32 $0xF7A, s1;
	s8 =	simm.s32 @!p0 $0x1BF5;
	p2 =	por !p2, p0  }
0x20: {  	[sflag:s8] =	ssyncset.s32 @!p0 $0xFFFFF086;
	s6 =	sadd.s32 @!p0 s3, s7;
	s7 =	simm.s32 @!p0 $0x108  }
0x21: {  	s3 =	sadd.s32 s3, s9;
	s6 =	sadd.s32 @!p0 $0x88, s6;
	s7 =	simm.s32 @p2 $0x1082  }
0x22: {  	[simem:s7], [sflag:s8] =	dma.local @!p0 [hbm:s6], $0xF7A  }
0x23: {  	s9 =	sor.u32 $0xD0000000, s2;
	s6 =	simm.s32 $0x108;
	_ =	swait.ge @!p0 [sflag:s8], $0x0  }
0x24: {  	s3 =	sadd.s32 $0x88, s3;
	s6 =	simm.s32 @!p1 $0x1082;
	[sflag:s4] =	ssyncset.s32 $0xFFFFF086  }
0x25: {  	[simem:s6], [sflag:s4] =	dma.local [hbm:s3], $0xF7A  }
0x26: {  	[smem:$0x3F9F] =	sst s1;
	(tag) =	ssettag s2;
	_ =	strace s9  }
0x27: {  	s1 =	sld [smem:$0x3FAF]  }
0x28: {  	s2 =	sld [smem:$0x3FB0]  }
0x29: {  	s4 =	sld [smem:$0x3FB2]  }
0x2a: {  	p0 =	seq.s32 s5, $0x0;
	s5 =	sld [smem:$0x3FB3]  }
0x2b: {  	s6 =	sld [smem:$0x3FB4]  }
0x2c: {  	s7 =	sld [smem:$0x3FB5]  }
0x2d: {  	s3 =	simm.s32 $0x108;
	s8 =	sld [smem:$0x3FB6]  }
0x2e: {  	s3 =	simm.s32 @!p0 $0x1082;
	s9 =	sld [smem:$0x3FB7]  }
0x2f: {  	lr =	sadd.s32 s0, s3;
	s0 =	sld [smem:$0x3FAE]  }
0x30: {  	s3 =	sld [smem:$0x3FB1]  }
0x31: {  	[smem:$0x3FBA] =	sst s10  }
0x32: {  	s10 =	sld [smem:$0x3FB8];
	_ =	sdelay $0x3  }
0x33: {  	p0 =	seq.s32 s10, $0x1;
	s10 =	sld [smem:$0x3FBA];
	_ =	sdelay $0x3  }
0x34: {  	[smem:$0x3FBA] =	sst s10  }
0x35: {  	s10 =	sld [smem:$0x3FB9];
	_ =	sdelay $0x3  }
0x36: {  	p1 =	seq.s32 s10, $0x1;
	s10 =	sld [smem:$0x3FBA];
	_ =	sdelay $0x3  }
0x37: {  	[smem:$0x3FBA] =	sst s10  }
0x38: {  	s10 =	sld [smem:$0x3FBB]  }
0x39: {  	_ = 	snop;
	(pc) =	sbr.ind lr, $3  }
0x3a: {  	_ = 	snop  }
0x3b: {  	_ = 	snop  }
0x3c: {  	p2 =	seq.s32 s10, $0x1;
	s10 =	sld [smem:$0x3FBA]  }
0x3d: {  	_ =	shalt  }
0x3e: {  	_ =	shalt  }
0x3f: {  	_ =	shalt  }
0x40: {  	_ =	shalt  }
0x41: {  	_ =	shalt  }
0x42: {  	_ =	shalt  }
0x43: {  	_ =	shalt  }
0x44: {  	_ =	shalt  }
0x45: {  	_ =	shalt  }
0x46: {  	_ =	shalt  }
0x47: {  	_ =	shalt  }
0x48: {  	_ =	shalt  }
0x49: {  	_ =	shalt  }
0x4a: {  	_ =	shalt  }
0x4b: {  	_ =	shalt  }
0x4c: {  	_ =	shalt  }
0x4d: {  	_ =	shalt  }
0x4e: {  	_ =	shalt  }
0x4f: {  	_ =	shalt  }
0x50: {  	_ =	shalt  }
0x51: {  	_ =	shalt  }
0x52: {  	_ =	shalt  }
0x53: {  	_ =	shalt  }
0x54: {  	_ =	shalt  }
0x55: {  	_ =	shalt  }
0x56: {  	_ =	shalt  }
0x57: {  	_ =	shalt  }
0x58: {  	_ =	shalt  }
0x59: {  	_ =	shalt  }
0x5a: {  	_ =	shalt  }
0x5b: {  	_ =	shalt  }
0x5c: {  	_ =	shalt  }
0x5d: {  	_ =	shalt  }
0x5e: {  	_ =	shalt  }
0x5f: {  	_ =	shalt  }
0x60: {  	_ =	shalt  }
0x61: {  	_ =	shalt  }
0x62: {  	_ =	shalt  }
0x63: {  	_ =	shalt  }
0x64: {  	_ =	shalt  }
0x65: {  	_ =	shalt  }
0x66: {  	_ =	shalt  }
0x67: {  	_ =	shalt  }
0x68: {  	_ =	shalt  }
0x69: {  	_ =	shalt  }
0x6a: {  	_ =	shalt  }
0x6b: {  	_ =	shalt  }
0x6c: {  	_ =	shalt  }
0x6d: {  	_ =	shalt  }
0x6e: {  	_ =	shalt  }
0x6f: {  	_ =	shalt  }
0x70: {  	_ =	shalt  }
0x71: {  	_ =	shalt  }
0x72: {  	_ =	shalt  }
0x73: {  	_ =	shalt  }
0x74: {  	_ =	shalt  }
0x75: {  	_ =	shalt  }
0x76: {  	_ =	shalt  }
0x77: {  	_ =	shalt  }
0x78: {  	_ =	shalt  }
0x79: {  	_ =	shalt  }
0x7a: {  	_ =	shalt  }
0x7b: {  	_ =	shalt  }
0x7c: {  	_ =	shalt  }
0x7d: {  	_ =	shalt  }
0x7e: {  	_ =	shalt  }
0x7f: {  	_ =	shalt  }
0x80: {  	_ =	shalt  }
0x81: {  	_ =	shalt  }
0x82: {  	_ =	shalt  }
0x83: {  	_ =	shalt  }
0x84: {  	_ =	shalt  }
0x85: {  	_ =	shalt  }
0x86: {  	_ =	shalt  }
0x87: {  	_ =	shalt  }
.Lfunc_end0:
.L_simem_size_0:
called_computation_lowered:
.L_overlay_start_0:
0x88: {  	s2 =	sld [smem:$0x3FD9]  }
0x89: {  	s3 =	sld [smem:$0x3FFE];
	_ =	sdelay $0x1  }
0x8a: {  	s1 =	srdreg.scid  }
0x8b: {  	s0 =	sand.u32 $0x1, s1  }
0x8c: {  	s17 =	sshll.u32 s0, $0xA;
	s2 =	sadd.s32 s3, s2  }
0x8d: {  	s2 =	sadd.s32 s2, s17  }
0x8e: {  	[smem:$0x3FC6] =	sst s2  }
0x8f: {  	_ = 	snop  }
0x90: {  	s2 =	sld [smem:$0x3FC8]  }
0x91: {  	s18 =	sld [smem:$0x3FD0];
	(tm) =	ssettm $0x1  }
0x92: {  	s4 =	sld [smem:$0x3FFB];
	_ =	sdelay $0x3  }
0x93: {  	_ =	strace s4  }
0x94: {  	s4 =	sld [smem:$0x3FFC];
	_ =	sdelay $0x3  }
0x95: {  	_ =	strace s4  }
0x96: {  	s4 =	sld [smem:$0x3FFD];
	_ =	sdelay $0x3  }
0x97: {  	_ =	strace s4  }
0x98: {  	_ =	strace $0x8FFFFFFF  }
0x99: {  	s19 =	sld [smem:$0x3FDB];
	_ =	sdelay $0x1  }
0x9a: {  	s5 =	simm.s32 $_scs_section_size  }
0x9b: {  	s6 =	simm.s32 $_size__tile_overlayer_lowered;
	s7 =	simm.s32 $_tile_overlayer_lowered  }
0x9c: {  	s22 =	simm.s32 $0x1BFF;
	s21 =	sshll.u32 s7, $0x1;
	s4 =	sadd.s32 s5, s19  }
0x9d: {  	s8 =	simm.s32 $0x0;
	s20 =	sshll.u32 s6, $0x1;
	s6 =	sadd.s32 s21, s4  }
0x9e: {  	[timem:s8], [sflag:s22] =	dma.local [hbm:s6], s20  }
0x9f: {  	_ =	swait.ge [sflag:s22], s20  }
0xa0: {  	s5 =	ssub.s32 $0x0, s20;
	[sflag:s22] =	ssyncset.done $0x0  }
0xa1: {  	[sflag:s22] =	ssyncadd.s32 s5;
	_ =	sdelay $0x1  }
0xa2: {  	s23 =	simm.s32 $0x1B8B  }
0xa3: {  	_ =	swait.ge [sflag:s23], $0x1  }
0xa4: {  	[sflag:s23] =	ssyncset.done $0x0  }
0xa5: {  	s25 =	simm.s32 $0x1B8E;
	s24 =	sld [smem:$0x3FFE];
	[sflag:s23] =	ssyncadd.s32 $0xFFFFFFFF  }
0xa6: {  	s26 =	simm.s32 $execute0_lowered;
	[smem:$0x3FD2] =	sst s25  }
0xa7: {  	s6 =	sshll.u32 s26, $0x1;
	_ =	strace $0x80000046;
	[dreg:$0x1] =	wrdreg $0xFFFFFFFF  }
0xa8: {  	s28 =	simm.s32 $_size_execute0_lowered;
	s4 =	sadd.s32 s4, s6;
	[dreg:$0x0] =	wrdreg $0x0  }
0xa9: {  	s6 =	sshll.u32 s28, $0x1;
	[dreg:$0x2] =	wrdreg s4  }
0xaa: {  	[dreg:$0x3] =	wrdreg s6  }
0xab: {  	[dreg:$0x4] =	wrdreg $0xC0  }
0xac: {  	_ =	task [dreg:s8], $0x5FFFF  }
0xad: {  	[dreg:$0x1] =	wrdreg $0xFFFFFFFF  }
0xae: {  	[dreg:$0x0] =	wrdreg $0x60  }
0xaf: {  	[dreg:$0x2] =	wrdreg s24  }
0xb0: {  	[dreg:$0x3] =	wrdreg s2  }
0xb1: {  	[dreg:$0x4] =	wrdreg s18  }
0xb2: {  	[dreg:$0x5] =	wrdreg $0x0  }
0xb3: {  	[dreg:$0x6] =	wrdreg $0x9  }
0xb4: {  	_ =	task.clear_ibuf [dreg:s8], $0x7FFFF;
	_ =	strace $0x90000046  }
0xb5: {  	s29 =	simm.s32 $0x9;
	_ =	strace $0x80000048  }
0xb6: {  	_ =	swait.ge [sflag:s29], $0x1  }
0xb7: {  	[sflag:s29] =	ssyncadd.s32 $0xFFFFFFFF  }
0xb8: {  	_ =	strace $0x90000048  }
0xb9: {  	_ =	sfence  }
0xba: {  	s30 =	sld [smem:$0x0];
	_ =	sdelay $0x2  }
0xbb: {  	s31 =	sshll.u32 s1, $0xD;
	s1 =	sshrl.u32 s1, $0x2  }
0xbc: {  	s3 =	sand.u32 $0x4000, s31;
	s1 =	sadd.s32 s1, s30  }
0xbd: {  	s0 =	sor.u32 s3, s0;
	s1 =	sshll.u32 s1, $0x11  }
0xbe: {  	s0 =	sor.u32 s1, s0  }
0xbf: {  	s0 =	sadd.s32 $0x8F2B, s0  }
0xc0: {  	[sflag:s0] =	ssyncadd.remote.s32 $0x1  }
0xc1: {  	_ =	sfence.sel $0xFFFF  }
0xc2: {  	[dreg:$0x0] =	wrdreg $0xFFFFFFFF;
	(pc) =	sbr.abs _section_cstart, $3  }
0xc3: {  	[dreg:$0x1] =	wrdreg $0xFFFFFFFF  }
0xc4: {  	_ =	task.clear_ibuf [dreg:s8], $0x2FFFF;
	_ =	strace $0x9FFFFFFF  }
0xc5: {  	(tm) =	ssettm $0x7FFFFFFF  }
tec
execute0_lowered:
.L_overlay_start_1:
0x0: {  	(tag) =	ssettag $0x1  }
0x1: {  	s0 =	srdreg.scid;
	s1 =	rddreg [dreg:$0x0]  }
0x2: {  	s7 =	stileid.u32;
	s3 =	rddreg [dreg:$0x1]  }
0x3: {  	s5 =	rddreg [dreg:$0x2];
	s0 =	sand.u32 $0x1, s0;
	s2 =	sshll.u32 s7, $0x1  }
0x4: {  	s16 =	simm.s32 $0x428;
	[dreg:$0x5] =	wrdreg s3;
	s2 =	sor.u32 s0, s2  }
0x5: {  	s3 =	simm.s32 $0x0;
	s24 =	smul.u32 $0xC30, s2;
	s2 =	smin.u32 s2, $0xA  }
0x6: {  	s17 =	simm.s32 $0x560;
	[smem:$0x7FF] =	sst s3;
	s4 =	sshll.u32 s2, $0x4  }
0x7: {  	s18 =	simm.s32 $0x698;
	s2 =	rddreg [dreg:$0x3];
	s6 =	sadd.s32 s24, s4  }
0x8: {  	_ =	strace $0x80000047;
	[dreg:$0x12] =	wrdreg s16;
	s4 =	sshrl.u32 s6, $0x3  }
0x9: {  	[dreg:$0x13] =	wrdreg s17;
	s25 =	sshll.u32 s6, $0x4;
	s4 =	sadd.s32 s1, s4  }
0xa: {  	[dreg:$0x14] =	wrdreg s18;
	s5 =	sadd.s32 s5, s25;
	s26 =	sadd.s32 $0x186, s4  }
0xb: {  	s1 =	sadd.s32 $0x1380, s5;
	[dreg:$0x6] =	wrdreg s26  }
0xc: {  	s6 =	sadd.s32 $0x2700, s5;
	[dreg:$0x7] =	wrdreg s1  }
0xd: {  	s8 =	sadd.s32 $0x3A80, s5;
	[dreg:$0x8] =	wrdreg s6  }
0xe: {  	s9 =	sadd.s32 $0x4E00, s5;
	[dreg:$0x9] =	wrdreg s8  }
0xf: {  	s10 =	sadd.s32 $0x6180, s5;
	[dreg:$0xa] =	wrdreg s9  }
0x10: {  	s11 =	sadd.s32 $0x7500, s5;
	[dreg:$0xb] =	wrdreg s10  }
0x11: {  	p0 =	sgt.u32 s7, $0x4;
	s12 =	sadd.s32 $0x8880, s5;
	[dreg:$0xc] =	wrdreg s11  }
0x12: {  	p1 =	sne.s32 @!p0 s7, $0x0;
	s13 =	sadd.s32 $0x9C00, s5;
	[dreg:$0xd] =	wrdreg s12  }
0x13: {  	p1 =	por p1, p0;
	s14 =	sadd.s32 $0xAF80, s5;
	[dreg:$0xe] =	wrdreg s13  }
0x14: {  	s15 =	sadd.s32 $0xC300, s5;
	s6 =	sadd.s32 $0x80, s2;
	[dreg:$0xf] =	wrdreg s14  }
0x15: {  	[dreg:$0x10] =	wrdreg s15;
	s1 =	sshrl.u32 @!p1 s6, $0x3  }
0x16: {  	s6 =	simm.s32 $0x2F0;
	[dreg:$0x11] =	wrdreg s1  }
0x17: {  	[tilespmem:s6], [sflag:$0x1] =	stream.linear.gather [hbm4b:s4+s3], $0xC30, $0x38;
	[tilespmem:$0x1EB70] =	vst v63  }
0x18: {  	s7 =	simm.s32 @p0 $0x1;
	[bflag:$0x0] =	sbarrier.arrive @p0 $0xFFFF  }
0x19: {  	_ =	swait.ge @p0 [sflag:s7], $0xC30  }
0x1a: {  	s8 =	simm.s32 @!p1 $0x8;
	s9 =	simm.s32 @!p0 $0x0;
	s1 =	rddreg [dreg:$0x5]  }
0x1b: {  	s10 =	simm.s32 @!p0 $0xF20;
	[sflag:s7] =	ssyncset.done @p0 $0x0;
	s11 =	rddreg [dreg:$0x6]  }
0x1c: {  	s13 =	simm.s32 @!p1 $0x1C08;
	s12 =	rddreg [dreg:$0x11];
	[sflag:s7] =	ssyncadd.s32 @p0 $0xFFFFF3D0  }
0x1d: {  	[tilespmem:s10], [sflag:$0x1] =	stream.linear.gather @!p0 [hbm4b:s11+s9], $0x10, $0x38;
	[tilespmem:$0x1EB70] =	vst v63  }
0x1e: {  	[spmem:s12], [sflag:s13] =	dma.local @!p1 [hbm:s1], $0x5D0  }
0x1f: {  	_ =	swait.ge @!p1 [sflag:s8], $0x5D0  }
0x20: {  	[sflag:s8] =	ssyncset.done @!p1 $0x0  }
0x21: {  	[sflag:s8] =	ssyncadd.s32 @!p1 $0xFFFFFA30  }
0x22: {  	s12 =	simm.s32 @!p0 $0x1;
	[bflag:$0x0] =	sbarrier.arrive @!p0 $0xFFFF  }
0x23: {  	_ =	swait.ge @!p0 [sflag:s12], $0xC30  }
0x24: {  	[sflag:s12] =	ssyncset.done @!p0 $0x0  }
0x25: {  	[sflag:s12] =	ssyncadd.s32 @!p0 $0xFFFFF3D0  }
0x26: {  	_ =	swait.ge @!p0 [sflag:s12], $0x10  }
0x27: {  	[sflag:s12] =	ssyncset.done @!p0 $0x0  }
0x28: {  	s14 =	simm.s32 $0xF70;
	s13 =	simm.s32 $0x138;
	[sflag:s12] =	ssyncadd.s32 @!p0 $0xFFFFFFF0  }
0x29: {  	[tilespmem:s14], [sflag:$0x2] =	stream.indirect.gather [spmem:s2], $0x80, s6, s13, $0xb8;
	[tilespmem:$0x1EB70] =	vst v63  }
0x2a: {  	s15 =	simm.s32 $0xAB70;
	s19 =	rddreg [dreg:$0x12]  }
0x2b: {  	[tilespmem:s15], [sflag:$0x3] =	stream.indirect.gather [spmem:s2], $0x80, s19, s13, $0xb8;
	[tilespmem:$0x1EB70] =	vst v63  }
0x2c: {  	s16 =	simm.s32 $0x14770;
	s17 =	simm.s32 $0x2;
	s20 =	rddreg [dreg:$0x13]  }
0x2d: {  	[tilespmem:s16], [sflag:$0x4] =	stream.indirect.gather [spmem:s2], $0x80, s20, s13, $0xb8;
	[tilespmem:$0x1EB70] =	vst v63  }
0x2e: {  	_ =	swait.ge [sflag:s17], $0x9C00  }
0x2f: {  	[sflag:s17] =	ssyncset.done $0x0  }
0x30: {  	s18 =	simm.s32 $0x5;
	[sflag:s17] =	ssyncadd.s32 $0xFFFF6400  }
0x31: {  	[hbm4b:s5+s3] =	stream.linear.scatter [tilespmem:s14], [sflag:$0x5], $0x9C00, $0x38;
	[tilespmem:$0x1EB70] =	vst v63  }
0x32: {  	_ =	swait.ge [sflag:s18], $0x9C00  }
0x33: {  	[sflag:s18] =	ssyncset.done $0x0  }
0x34: {  	s19 =	simm.s32 $0x3;
	s21 =	rddreg [dreg:$0x14];
	[sflag:s18] =	ssyncadd.s32 $0xFFFF6400  }
0x35: {  	[tilespmem:s14], [sflag:$0x2] =	stream.indirect.gather [spmem:s2], $0x80, s21, s13, $0xb8;
	[tilespmem:$0x1EB70] =	vst v63  }
0x36: {  	_ =	swait.ge [sflag:s19], $0x9C00  }
0x37: {  	[sflag:s19] =	ssyncset.done $0x0  }
0x38: {  	s20 =	simm.s32 $0x6;
	s22 =	rddreg [dreg:$0x7];
	[sflag:s19] =	ssyncadd.s32 $0xFFFF6400  }
0x39: {  	[hbm4b:s22+s3] =	stream.linear.scatter [tilespmem:s15], [sflag:$0x6], $0x9C00, $0x38;
	[tilespmem:$0x1EB70] =	vst v63  }
0x3a: {  	_ =	swait.ge [sflag:s20], $0x9C00  }
0x3b: {  	[sflag:s20] =	ssyncset.done $0x0  }
0x3c: {  	s23 =	simm.s32 $0x7D0;
	s22 =	simm.s32 $0x4;
	[sflag:s20] =	ssyncadd.s32 $0xFFFF6400  }
0x3d: {  	[tilespmem:s15], [sflag:$0x3] =	stream.indirect.gather [spmem:s2], $0x80, s23, s13, $0xb8;
	[tilespmem:$0x1EB70] =	vst v63  }
0x3e: {  	_ =	swait.ge [sflag:s22], $0x9C00  }
0x3f: {  	[sflag:s22] =	ssyncset.done $0x0  }
0x40: {  	s23 =	simm.s32 $0x7;
	s24 =	rddreg [dreg:$0x8];
	[sflag:s22] =	ssyncadd.s32 $0xFFFF6400  }
0x41: {  	[hbm4b:s24+s3] =	stream.linear.scatter [tilespmem:s16], [sflag:$0x7], $0x9C00, $0x38;
	[tilespmem:$0x1EB70] =	vst v63  }
0x42: {  	_ =	swait.ge [sflag:s23], $0x9C00  }
0x43: {  	[sflag:s23] =	ssyncset.done $0x0  }
0x44: {  	s25 =	simm.s32 $0x908;
	[sflag:s23] =	ssyncadd.s32 $0xFFFF6400  }
0x45: {  	[tilespmem:s16], [sflag:$0x4] =	stream.indirect.gather [spmem:s2], $0x80, s25, s13, $0xb8;
	[tilespmem:$0x1EB70] =	vst v63  }
0x46: {  	_ =	swait.ge [sflag:s17], $0x9C00  }
0x47: {  	[sflag:s17] =	ssyncset.done $0x0  }
0x48: {  	s26 =	rddreg [dreg:$0x9];
	[sflag:s17] =	ssyncadd.s32 $0xFFFF6400  }
0x49: {  	[hbm4b:s26+s3] =	stream.linear.scatter [tilespmem:s14], [sflag:$0x5], $0x9C00, $0x38;
	[tilespmem:$0x1EB70] =	vst v63  }
0x4a: {  	_ =	swait.ge [sflag:s18], $0x9C00  }
0x4b: {  	[sflag:s18] =	ssyncset.done $0x0  }
0x4c: {  	s11 =	simm.s32 $0xA40;
	[sflag:s18] =	ssyncadd.s32 $0xFFFF6400  }
0x4d: {  	[tilespmem:s14], [sflag:$0x2] =	stream.indirect.gather [spmem:s2], $0x80, s11, s13, $0xb8;
	[tilespmem:$0x1EB70] =	vst v63  }
0x4e: {  	_ =	swait.ge [sflag:s19], $0x9C00  }
0x4f: {  	[sflag:s19] =	ssyncset.done $0x0  }
0x50: {  	s21 =	rddreg [dreg:$0xa];
	[sflag:s19] =	ssyncadd.s32 $0xFFFF6400  }
0x51: {  	[hbm4b:s21+s3] =	stream.linear.scatter [tilespmem:s15], [sflag:$0x6], $0x9C00, $0x38;
	[tilespmem:$0x1EB70] =	vst v63  }
0x52: {  	_ =	swait.ge [sflag:s20], $0x9C00  }
0x53: {  	[sflag:s20] =	ssyncset.done $0x0  }
0x54: {  	s26 =	simm.s32 $0xB78;
	[sflag:s20] =	ssyncadd.s32 $0xFFFF6400  }
0x55: {  	[tilespmem:s15], [sflag:$0x3] =	stream.indirect.gather [spmem:s2], $0x80, s26, s13, $0xb8;
	[tilespmem:$0x1EB70] =	vst v63  }
0x56: {  	_ =	swait.ge [sflag:s22], $0x9C00  }
0x57: {  	[sflag:s22] =	ssyncset.done $0x0  }
0x58: {  	s24 =	rddreg [dreg:$0xb];
	[sflag:s22] =	ssyncadd.s32 $0xFFFF6400  }
0x59: {  	[hbm4b:s24+s3] =	stream.linear.scatter [tilespmem:s16], [sflag:$0x7], $0x9C00, $0x38;
	[tilespmem:$0x1EB70] =	vst v63  }
0x5a: {  	_ =	swait.ge [sflag:s23], $0x9C00  }
0x5b: {  	[sflag:s23] =	ssyncset.done $0x0  }
0x5c: {  	s28 =	simm.s32 $0xCB0;
	[sflag:s23] =	ssyncadd.s32 $0xFFFF6400  }
0x5d: {  	[tilespmem:s16], [sflag:$0x4] =	stream.indirect.gather [spmem:s2], $0x80, s28, s13, $0xb8;
	[tilespmem:$0x1EB70] =	vst v63  }
0x5e: {  	_ =	swait.ge [sflag:s17], $0x9C00  }
0x5f: {  	[sflag:s17] =	ssyncset.done $0x0  }
0x60: {  	s25 =	rddreg [dreg:$0xc];
	[sflag:s17] =	ssyncadd.s32 $0xFFFF6400  }
0x61: {  	[hbm4b:s25+s3] =	stream.linear.scatter [tilespmem:s14], [sflag:$0x5], $0x9C00, $0x38;
	[tilespmem:$0x1EB70] =	vst v63  }
0x62: {  	_ =	swait.ge [sflag:s18], $0x9C00  }
0x63: {  	[sflag:s18] =	ssyncset.done $0x0  }
0x64: {  	s29 =	simm.s32 $0xDE8;
	[sflag:s18] =	ssyncadd.s32 $0xFFFF6400  }
0x65: {  	[tilespmem:s14], [sflag:$0x2] =	stream.indirect.gather [spmem:s2], $0x80, s29, s13, $0xb8;
	[tilespmem:$0x1EB70] =	vst v63  }
0x66: {  	_ =	swait.ge [sflag:s19], $0x9C00  }
0x67: {  	[sflag:s19] =	ssyncset.done $0x0  }
0x68: {  	s11 =	rddreg [dreg:$0xd];
	[sflag:s19] =	ssyncadd.s32 $0xFFFF6400  }
0x69: {  	[hbm4b:s11+s3] =	stream.linear.scatter [tilespmem:s15], [sflag:$0x6], $0x9C00, $0x38;
	[tilespmem:$0x1EB70] =	vst v63  }
0x6a: {  	_ =	swait.ge [sflag:s22], $0x9C00  }
0x6b: {  	[sflag:s22] =	ssyncset.done $0x0  }
0x6c: {  	s21 =	rddreg [dreg:$0xe];
	[sflag:s22] =	ssyncadd.s32 $0xFFFF6400  }
0x6d: {  	[hbm4b:s21+s3] =	stream.linear.scatter [tilespmem:s16], [sflag:$0x7], $0x9C00, $0x38;
	[tilespmem:$0x1EB70] =	vst v63  }
0x6e: {  	_ =	swait.ge [sflag:s17], $0x9C00  }
0x6f: {  	[sflag:s17] =	ssyncset.done $0x0  }
0x70: {  	s24 =	rddreg [dreg:$0xf];
	[sflag:s17] =	ssyncadd.s32 $0xFFFF6400  }
0x71: {  	[hbm4b:s24+s3] =	stream.linear.scatter [tilespmem:s14], [sflag:$0x5], $0x9C00, $0x38;
	[tilespmem:$0x1EB70] =	vst v63  }
0x72: {  	_ =	swait.ge [sflag:s20], $0x9C00  }
0x73: {  	[sflag:s20] =	ssyncset.done $0x0  }
0x74: {  	[sflag:s20] =	ssyncadd.s32 $0xFFFF6400  }
0x75: {  	s0 =	ssub.s32 $0x2, s0;
	_ =	swait.ge [sflag:s23], $0x9C00  }
0x76: {  	s25 =	sshrl.u32 s0, $0x1;
	[sflag:s23] =	ssyncset.done $0x0  }
0x77: {  	s0 =	ssub.s32 s0, s25;
	[sflag:s23] =	ssyncadd.s32 $0xFFFF6400  }
0x78: {  	s30 =	simm.s32 @!p0 $0x10;
	s0 =	smax.u32 s0, $0x1;
	_ =	swait.ge [sflag:s18], $0x9C00  }
0x79: {  	s31 =	simm.s32 @!p0 $0x1E370;
	s11 =	sadd.s32 $0xFFFFFFFF, s0;
	[sflag:s18] =	ssyncset.done $0x0  }
0x7a: {  	s1 =	simm.s32 @!p0 $0x2;
	p2 =	sne.s32 s11, $0x0;
	[sflag:s18] =	ssyncadd.s32 $0xFFFF6400  }
0x7b: {  	[tilespmem:s31], [sflag:$0x2] =	stream.indirect.gather @!p0 [spmem:s2], $0x80, s10, s30, $0xb8;
	[tilespmem:$0x1EB70] =	vst v63  }
.Ltmp0:
0x7c: {  	_ =	swait.ge @!p0 [sflag:s1], $0x800;
	(pc) =	sbr.rel @!p2 .LBB2_2-.Ltmp0, $4  }
0x7d: {  	[sflag:s1] =	ssyncset.done @!p0 $0x0  }
0x7e: {  	s0 =	simm.s32 @!p0 $0x8;
	s21 =	rddreg [dreg:$0x10];
	[sflag:s1] =	ssyncadd.s32 @!p0 $0xFFFFF800  }
0x7f: {  	[hbm4b:s21+s9] =	stream.linear.scatter @!p0 [tilespmem:s31], [sflag:$0x8], $0x800, $0x38;
	[tilespmem:$0x1EB70] =	vst v63  }
0x80: {  	_ =	swait.ge @!p0 [sflag:s0], $0x800  }
.LBB2_1:
0x81: {  	[sflag:s0] =	ssyncset.done @!p0 $0x0  }
0x82: {  	[sflag:s0] =	ssyncadd.s32 @!p0 $0xFFFFF800  }
0x83: {  	[tilespmem:s6], [sflag:$0x1] =	stream.linear.gather [hbm4b:s4+s3], $0xC30, $0x38;
	[tilespmem:$0x1EB70] =	vst v63  }
0x84: {  	[bflag:$0x0] =	sbarrier.arrive @p0 $0xFFFF  }
0x85: {  	_ =	swait.ge @p0 [sflag:s7], $0xC30  }
0x86: {  	s21 =	rddreg [dreg:$0x5];
	[sflag:s7] =	ssyncset.done @p0 $0x0  }
0x87: {  	s24 =	rddreg [dreg:$0x6];
	[sflag:s7] =	ssyncadd.s32 @p0 $0xFFFFF3D0  }
0x88: {  	[tilespmem:s10], [sflag:$0x1] =	stream.linear.gather @!p0 [hbm4b:s24+s9], $0x10, $0x38;
	[tilespmem:$0x1EB70] =	vst v63  }
0x89: {  	s25 =	rddreg [dreg:$0x11];
	s24 =	simm.s32 @!p1 $0x1C08  }
0x8a: {  	[spmem:s25], [sflag:s24] =	dma.local @!p1 [hbm:s21], $0x5D0  }
0x8b: {  	_ =	swait.ge @!p1 [sflag:s8], $0x5D0  }
0x8c: {  	[sflag:s8] =	ssyncset.done @!p1 $0x0  }
0x8d: {  	[sflag:s8] =	ssyncadd.s32 @!p1 $0xFFFFFA30  }
0x8e: {  	[bflag:$0x0] =	sbarrier.arrive @!p0 $0xFFFF  }
0x8f: {  	_ =	swait.ge @!p0 [sflag:s12], $0xC30  }
0x90: {  	[sflag:s12] =	ssyncset.done @!p0 $0x0  }
0x91: {  	[sflag:s12] =	ssyncadd.s32 @!p0 $0xFFFFF3D0  }
0x92: {  	_ =	swait.ge @!p0 [sflag:s12], $0x10  }
0x93: {  	[sflag:s12] =	ssyncset.done @!p0 $0x0  }
0x94: {  	[sflag:s12] =	ssyncadd.s32 @!p0 $0xFFFFFFF0  }
0x95: {  	[tilespmem:s14], [sflag:$0x2] =	stream.indirect.gather [spmem:s2], $0x80, s6, s13, $0xb8;
	[tilespmem:$0x1EB70] =	vst v63  }
0x96: {  	s24 =	rddreg [dreg:$0x12]  }
0x97: {  	[tilespmem:s15], [sflag:$0x3] =	stream.indirect.gather [spmem:s2], $0x80, s24, s13, $0xb8;
	[tilespmem:$0x1EB70] =	vst v63  }
0x98: {  	s25 =	rddreg [dreg:$0x13]  }
0x99: {  	[tilespmem:s16], [sflag:$0x4] =	stream.indirect.gather [spmem:s2], $0x80, s25, s13, $0xb8;
	[tilespmem:$0x1EB70] =	vst v63  }
0x9a: {  	_ =	swait.ge [sflag:s17], $0x9C00  }
0x9b: {  	[sflag:s17] =	ssyncset.done $0x0  }
0x9c: {  	[sflag:s17] =	ssyncadd.s32 $0xFFFF6400  }
0x9d: {  	[hbm4b:s5+s3] =	stream.linear.scatter [tilespmem:s14], [sflag:$0x5], $0x9C00, $0x38;
	[tilespmem:$0x1EB70] =	vst v63  }
0x9e: {  	_ =	swait.ge [sflag:s18], $0x9C00  }
0x9f: {  	[sflag:s18] =	ssyncset.done $0x0  }
0xa0: {  	s25 =	rddreg [dreg:$0x14];
	[sflag:s18] =	ssyncadd.s32 $0xFFFF6400  }
0xa1: {  	[tilespmem:s14], [sflag:$0x2] =	stream.indirect.gather [spmem:s2], $0x80, s25, s13, $0xb8;
	[tilespmem:$0x1EB70] =	vst v63  }
0xa2: {  	_ =	swait.ge [sflag:s19], $0x9C00  }
0xa3: {  	[sflag:s19] =	ssyncset.done $0x0  }
0xa4: {  	s24 =	rddreg [dreg:$0x7];
	[sflag:s19] =	ssyncadd.s32 $0xFFFF6400  }
0xa5: {  	[hbm4b:s24+s3] =	stream.linear.scatter [tilespmem:s15], [sflag:$0x6], $0x9C00, $0x38;
	[tilespmem:$0x1EB70] =	vst v63  }
0xa6: {  	_ =	swait.ge [sflag:s20], $0x9C00  }
0xa7: {  	[sflag:s20] =	ssyncset.done $0x0  }
0xa8: {  	s25 =	simm.s32 $0x7D0;
	[sflag:s20] =	ssyncadd.s32 $0xFFFF6400  }
0xa9: {  	[tilespmem:s15], [sflag:$0x3] =	stream.indirect.gather [spmem:s2], $0x80, s25, s13, $0xb8;
	[tilespmem:$0x1EB70] =	vst v63  }
0xaa: {  	_ =	swait.ge [sflag:s22], $0x9C00  }
0xab: {  	[sflag:s22] =	ssyncset.done $0x0  }
0xac: {  	s24 =	rddreg [dreg:$0x8];
	[sflag:s22] =	ssyncadd.s32 $0xFFFF6400  }
0xad: {  	[hbm4b:s24+s3] =	stream.linear.scatter [tilespmem:s16], [sflag:$0x7], $0x9C00, $0x38;
	[tilespmem:$0x1EB70] =	vst v63  }
0xae: {  	_ =	swait.ge [sflag:s23], $0x9C00  }
0xaf: {  	[sflag:s23] =	ssyncset.done $0x0  }
0xb0: {  	s25 =	simm.s32 $0x908;
	[sflag:s23] =	ssyncadd.s32 $0xFFFF6400  }
0xb1: {  	[tilespmem:s16], [sflag:$0x4] =	stream.indirect.gather [spmem:s2], $0x80, s25, s13, $0xb8;
	[tilespmem:$0x1EB70] =	vst v63  }
0xb2: {  	_ =	swait.ge [sflag:s17], $0x9C00  }
0xb3: {  	[sflag:s17] =	ssyncset.done $0x0  }
0xb4: {  	s24 =	rddreg [dreg:$0x9];
	[sflag:s17] =	ssyncadd.s32 $0xFFFF6400  }
0xb5: {  	[hbm4b:s24+s3] =	stream.linear.scatter [tilespmem:s14], [sflag:$0x5], $0x9C00, $0x38;
	[tilespmem:$0x1EB70] =	vst v63  }
0xb6: {  	_ =	swait.ge [sflag:s18], $0x9C00  }
0xb7: {  	[sflag:s18] =	ssyncset.done $0x0  }
0xb8: {  	s25 =	simm.s32 $0xA40;
	[sflag:s18] =	ssyncadd.s32 $0xFFFF6400  }
0xb9: {  	[tilespmem:s14], [sflag:$0x2] =	stream.indirect.gather [spmem:s2], $0x80, s25, s13, $0xb8;
	[tilespmem:$0x1EB70] =	vst v63  }
0xba: {  	_ =	swait.ge [sflag:s19], $0x9C00  }
0xbb: {  	[sflag:s19] =	ssyncset.done $0x0  }
0xbc: {  	s24 =	rddreg [dreg:$0xa];
	[sflag:s19] =	ssyncadd.s32 $0xFFFF6400  }
0xbd: {  	[hbm4b:s24+s3] =	stream.linear.scatter [tilespmem:s15], [sflag:$0x6], $0x9C00, $0x38;
	[tilespmem:$0x1EB70] =	vst v63  }
0xbe: {  	_ =	swait.ge [sflag:s20], $0x9C00  }
0xbf: {  	[sflag:s20] =	ssyncset.done $0x0  }
0xc0: {  	[sflag:s20] =	ssyncadd.s32 $0xFFFF6400  }
0xc1: {  	[tilespmem:s15], [sflag:$0x3] =	stream.indirect.gather [spmem:s2], $0x80, s26, s13, $0xb8;
	[tilespmem:$0x1EB70] =	vst v63  }
0xc2: {  	_ =	swait.ge [sflag:s22], $0x9C00  }
0xc3: {  	[sflag:s22] =	ssyncset.done $0x0  }
0xc4: {  	s25 =	rddreg [dreg:$0xb];
	[sflag:s22] =	ssyncadd.s32 $0xFFFF6400  }
0xc5: {  	[hbm4b:s25+s3] =	stream.linear.scatter [tilespmem:s16], [sflag:$0x7], $0x9C00, $0x38;
	[tilespmem:$0x1EB70] =	vst v63  }
0xc6: {  	_ =	swait.ge [sflag:s23], $0x9C00  }
0xc7: {  	[sflag:s23] =	ssyncset.done $0x0  }
0xc8: {  	[sflag:s23] =	ssyncadd.s32 $0xFFFF6400  }
0xc9: {  	[tilespmem:s16], [sflag:$0x4] =	stream.indirect.gather [spmem:s2], $0x80, s28, s13, $0xb8;
	[tilespmem:$0x1EB70] =	vst v63  }
0xca: {  	_ =	swait.ge [sflag:s17], $0x9C00  }
0xcb: {  	[sflag:s17] =	ssyncset.done $0x0  }
0xcc: {  	s24 =	rddreg [dreg:$0xc];
	[sflag:s17] =	ssyncadd.s32 $0xFFFF6400  }
0xcd: {  	[hbm4b:s24+s3] =	stream.linear.scatter [tilespmem:s14], [sflag:$0x5], $0x9C00, $0x38;
	[tilespmem:$0x1EB70] =	vst v63  }
0xce: {  	_ =	swait.ge [sflag:s18], $0x9C00  }
0xcf: {  	[sflag:s18] =	ssyncset.done $0x0  }
0xd0: {  	[sflag:s18] =	ssyncadd.s32 $0xFFFF6400  }
0xd1: {  	[tilespmem:s14], [sflag:$0x2] =	stream.indirect.gather [spmem:s2], $0x80, s29, s13, $0xb8;
	[tilespmem:$0x1EB70] =	vst v63  }
0xd2: {  	_ =	swait.ge [sflag:s19], $0x9C00  }
0xd3: {  	[sflag:s19] =	ssyncset.done $0x0  }
0xd4: {  	s25 =	rddreg [dreg:$0xd];
	[sflag:s19] =	ssyncadd.s32 $0xFFFF6400  }
0xd5: {  	[hbm4b:s25+s3] =	stream.linear.scatter [tilespmem:s15], [sflag:$0x6], $0x9C00, $0x38;
	[tilespmem:$0x1EB70] =	vst v63  }
0xd6: {  	_ =	swait.ge [sflag:s22], $0x9C00  }
0xd7: {  	[sflag:s22] =	ssyncset.done $0x0  }
0xd8: {  	s24 =	rddreg [dreg:$0xe];
	[sflag:s22] =	ssyncadd.s32 $0xFFFF6400  }
0xd9: {  	[hbm4b:s24+s3] =	stream.linear.scatter [tilespmem:s16], [sflag:$0x7], $0x9C00, $0x38;
	[tilespmem:$0x1EB70] =	vst v63  }
0xda: {  	_ =	swait.ge [sflag:s17], $0x9C00  }
0xdb: {  	[sflag:s17] =	ssyncset.done $0x0  }
0xdc: {  	s25 =	rddreg [dreg:$0xf];
	[sflag:s17] =	ssyncadd.s32 $0xFFFF6400  }
0xdd: {  	[hbm4b:s25+s3] =	stream.linear.scatter [tilespmem:s14], [sflag:$0x5], $0x9C00, $0x38;
	[tilespmem:$0x1EB70] =	vst v63  }
0xde: {  	_ =	swait.ge [sflag:s20], $0x9C00  }
0xdf: {  	[sflag:s20] =	ssyncset.done $0x0  }
0xe0: {  	[sflag:s20] =	ssyncadd.s32 $0xFFFF6400  }
0xe1: {  	_ =	swait.ge [sflag:s23], $0x9C00  }
0xe2: {  	[sflag:s23] =	ssyncset.done $0x0  }
0xe3: {  	[sflag:s23] =	ssyncadd.s32 $0xFFFF6400  }
0xe4: {  	_ =	swait.ge [sflag:s18], $0x9C00  }
0xe5: {  	s11 =	sadd.s32 $0xFFFFFFFF, s11;
	[sflag:s18] =	ssyncset.done $0x0  }
0xe6: {  	p2 =	sne.s32 s11, $0x0;
	[sflag:s18] =	ssyncadd.s32 $0xFFFF6400  }
0xe7: {  	[tilespmem:s31], [sflag:$0x2] =	stream.indirect.gather @!p0 [spmem:s2], $0x80, s10, s30, $0xb8;
	[tilespmem:$0x1EB70] =	vst v63  }
.Ltmp1:
0xe8: {  	_ =	swait.ge @!p0 [sflag:s1], $0x800;
	(pc) =	sbr.rel @p2 .LBB2_1-.Ltmp1, $4  }
0xe9: {  	[sflag:s1] =	ssyncset.done @!p0 $0x0  }
0xea: {  	s21 =	rddreg [dreg:$0x10];
	[sflag:s1] =	ssyncadd.s32 @!p0 $0xFFFFF800  }
0xeb: {  	[hbm4b:s21+s9] =	stream.linear.scatter @!p0 [tilespmem:s31], [sflag:$0x8], $0x800, $0x38;
	[tilespmem:$0x1EB70] =	vst v63  }
0xec: {  	_ =	swait.ge @!p0 [sflag:s0], $0x800  }
.LBB2_2:
0xed: {  	[sflag:s0] =	ssyncset.done @!p0 $0x0  }
0xee: {  	[sflag:s0] =	ssyncadd.s32 @!p0 $0xFFFFF800  }
0xef: {  	_ =	sfence.sel $0x180000  }
0xf0: {  	[bflag:$0x0] =	sbarrier.arrive $0xFFFF  }
0xf1: {  	_ =	strace $0x90000047  }
0xf2: {  	s31 =	stileid.u32;
	[bflag:$0x2] =	sbarrier.arrive $0xFFFF  }
0xf3: {  	p0 =	sne.s32 s31, $0x0;
	s0 =	rddreg [dreg:$0x4]  }
0xf4: {  	s0 =	sadd.s32 @!p0 $0x100000, s0  }
0xf5: {  	[sflag:s0] =	ssyncadd.tile.s32 @!p0 $0x1;
	_ =	shalt  }
.Lfunc_end2:
_tile_overlayer_lowered:
.L_overlay_start_2:
0xf6: {  	(tag) =	ssettag $0x2  }
0xf7: {  	s0 =	rddreg [dreg:$0x0];
	s2 =	stileid.u32  }
0xf8: {  	s1 =	rddreg [dreg:$0x1];
	p0 =	sne.s32 s2, $0x0  }
0xf9: {  	s3 =	rddreg [dreg:$0x2];
	[bflag:$0x3] =	sbarrier.arrive $0xFFFF;
	s2 =	simm.s32 @!p0 $0x1C08  }
0xfa: {  	[timem:s3], [sflag:s2] =	dma.local @!p0 [hbm:s0], s1  }
0xfb: {  	s0 =	simm.s32 @!p0 $0x8  }
0xfc: {  	_ =	swait.ge @!p0 [sflag:s0], s1  }
0xfd: {  	s1 =	ssub.s32 @!p0 $0x0, s1;
	[sflag:s0] =	ssyncset.done @!p0 $0x0  }
0xfe: {  	[sflag:s0] =	ssyncadd.s32 @!p0 s1  }
0xff: {  	[bflag:$0x3] =	sbarrier.arrive $0xFFFF  }
0x100: {  	_ =	shalt  }

</sc_bundles>
